<compile_context>
chip_gen: v7x
topology: tpu7x:2x2x1
jax: 0.10.2.dev20260603
libtpu: 0.0.44.dev20260713+nightly
codegen_flags: <defaults>
</compile_context>

<pallas_src>
import functools

import jax
import jax.numpy as jnp
from jax import lax
from jax.experimental import pallas as pl
from jax.experimental.pallas import tpu as pltpu
from jax.experimental.pallas import tpu_sc as plsc

N_NODES = 10000
FEAT = 128
HID = 128
NUM_GRAPHS = 64

NC = 2
NS = 16
HHALF = HID // NC

CHUNK = 128
NBUF = 4
N_PAD = 10240
ROWS_PER_SUB = N_PAD // NS
BLK = 1024
N_BLK = N_PAD // BLK


def _sc_aggregate(h_split, src2d, dst2d, cpw):
  mesh = plsc.VectorSubcoreMesh(core_axis_name="c", subcore_axis_name="s")

  @functools.partial(
      pl.kernel,
      mesh=mesh,
      compiler_params=pltpu.CompilerParams(use_tc_tiling_on_sc=False),
      out_type=jax.ShapeDtypeStruct((2 * N_PAD, HHALF), jnp.float32),
      scratch_types=[
          pltpu.VMEM((cpw, CHUNK), jnp.int32),
          pltpu.VMEM((cpw, CHUNK), jnp.int32),
          pltpu.VMEM((NBUF, CHUNK, HHALF), jnp.float32),
          pltpu.VMEM_SHARED((N_PAD, HHALF), jnp.float32),
          pltpu.SemaphoreType.DMA,
          pltpu.SemaphoreType.DMA,
      ],
  )
  def k(h_hbm, src_hbm, dst_hbm, out_hbm, idx_s, idx_d, rows, acc, sem_g,
        sem_s):
    c = lax.axis_index("c")
    s = lax.axis_index("s")

    pltpu.sync_copy(
        h_hbm.at[pl.ds(c * N_PAD + s * ROWS_PER_SUB, ROWS_PER_SUB)],
        acc.at[pl.ds(s * ROWS_PER_SUB, ROWS_PER_SUB)])
    pltpu.sync_copy(src_hbm.at[pl.ds(s * cpw, cpw)], idx_s)
    pltpu.sync_copy(dst_hbm.at[pl.ds(s * cpw, cpw)], idx_d)
    plsc.subcore_barrier()

    hview = h_hbm.at[pl.ds(c * N_PAD, N_PAD)]

    for b in range(NBUF - 1):
      pltpu.async_copy(hview.at[idx_s.at[b]], rows.at[b], sem_g)

    def body(j, carry):
      buf = lax.rem(j, NBUF)
      pltpu.make_async_copy(hview.at[idx_s.at[j]], rows.at[buf],
                            sem_g).wait()

      @pl.when(j + NBUF - 1 < cpw)
      def _():
        jn = j + NBUF - 1
        pltpu.async_copy(hview.at[idx_s.at[jn]], rows.at[lax.rem(jn, NBUF)],
                         sem_g)

      return carry

    lax.fori_loop(0, cpw, body, 0)
    plsc.subcore_barrier()

    pltpu.sync_copy(
        acc.at[pl.ds(s * ROWS_PER_SUB, ROWS_PER_SUB)],
        out_hbm.at[pl.ds(c * N_PAD + s * ROWS_PER_SUB, ROWS_PER_SUB)])

  return k(h_split, src2d, dst2d)


def _mlp_pool_body(p_ref, b_ref, w1_ref, b1_ref, w2_ref, b2_ref, h_ref,
                   pool_ref):
  hi = jax.lax.Precision.HIGHEST
  z = jnp.concatenate([p_ref[0], p_ref[1]], axis=-1)
  z = jnp.dot(z, w1_ref[...], precision=hi,
              preferred_element_type=jnp.float32) + b1_ref[...]
  z = jnp.maximum(z, 0.0)
  z = jnp.dot(z, w2_ref[...], precision=hi,
              preferred_element_type=jnp.float32) + b2_ref[...]
  h = jnp.maximum(z, 0.0)
  h_ref[0] = h[:, :HHALF]
  h_ref[1] = h[:, HHALF:]

  bb = b_ref[0, 0]
  onehot = (bb[None, :] == lax.broadcasted_iota(jnp.int32, (NUM_GRAPHS, BLK),
                                                0)).astype(jnp.float32)
  pool = jnp.dot(onehot, h, precision=hi, preferred_element_type=jnp.float32)

  @pl.when(pl.program_id(0) == 0)
  def _():
    pool_ref[...] = jnp.zeros_like(pool_ref)

  pool_ref[...] += pool


def _mlp_pool(z_split, batch3d, w1, b1, w2, b2):
  return pl.pallas_call(
      _mlp_pool_body,
      grid=(N_BLK,),
      in_specs=[
          pl.BlockSpec((2, BLK, HHALF), lambda i: (0, i, 0)),
          pl.BlockSpec((1, 1, BLK), lambda i: (i, 0, 0)),
          pl.BlockSpec((HID, HID), lambda i: (0, 0)),
          pl.BlockSpec((1, HID), lambda i: (0, 0)),
          pl.BlockSpec((HID, HID), lambda i: (0, 0)),
          pl.BlockSpec((1, HID), lambda i: (0, 0)),
      ],
      out_specs=[
          pl.BlockSpec((2, BLK, HHALF), lambda i: (0, i, 0)),
          pl.BlockSpec((NUM_GRAPHS, HID), lambda i: (0, 0)),
      ],
      out_shape=[
          jax.ShapeDtypeStruct((2, N_PAD, HHALF), jnp.float32),
          jax.ShapeDtypeStruct((NUM_GRAPHS, HID), jnp.float32),
      ],
  )(z_split, batch3d, w1, b1, w2, b2)


def kernel(x, edge_index, batch, W1_0, b1_0, W2_0, b2_0, W1_1, b1_1, W2_1,
           b2_1, W1_2, b1_2, W2_2, b2_2):
  n_edges = edge_index.shape[1]
  quantum = NS * CHUNK * 8
  e_pad = ((n_edges + quantum - 1) // quantum) * quantum
  cpw = e_pad // (NS * CHUNK)
  n_extra = e_pad - n_edges

  src = edge_index[0]
  dst = edge_index[1]
  pad_ids = lax.iota(jnp.int32, n_extra)
  src_p = jnp.concatenate([src, pad_ids % N_NODES]).reshape(-1, CHUNK)
  dst_p = jnp.concatenate(
      [dst, N_NODES + pad_ids % (N_PAD - N_NODES)]).reshape(-1, CHUNK)

  xp = jnp.zeros((N_PAD, FEAT), jnp.float32).at[:N_NODES].set(x)
  h = jnp.stack([xp[:, :HHALF], xp[:, HHALF:]])
  batch3d = jnp.full((N_PAD,), NUM_GRAPHS,
                     jnp.int32).at[:N_NODES].set(batch).reshape(N_BLK, 1, BLK)

  params = [
      (W1_0, b1_0, W2_0, b2_0),
      (W1_1, b1_1, W2_1, b2_1),
      (W1_2, b1_2, W2_2, b2_2),
  ]
  pools = []
  for w1, b1, w2, b2 in params:
    z = _sc_aggregate(h.reshape(2 * N_PAD, HHALF), src_p, dst_p, cpw)
    h, pool = _mlp_pool(z.reshape(2, N_PAD, HHALF), batch3d,
                        w1, b1.reshape(1, HID), w2, b2.reshape(1, HID))
    pools.append(pool)
  return jnp.concatenate(pools, axis=1)

# --- scband reference (transcript-rebuilt; emitter-appended) ---
"""Pipeline reference for scband-gin-17377437680137 (READ-ONLY COPY).

The authoritative reference and input builder live on the scoring server;
editing this copy changes nothing except your own understanding.
"""

import jax, jax.numpy as jnp
import numpy as np

N_NODES = 10000
N_EDGES = 320000
FEAT = 128
HID = 128
NUM_GRAPHS = 64


def setup_inputs(seed: int = 0) -> dict:
    key = jax.random.key(seed)
    ks = jax.random.split(key, 16)
    x = jax.random.normal(ks[0], (N_NODES, FEAT), dtype=jnp.float32)
    edge_index = jax.random.randint(ks[1], (2, N_EDGES), 0, N_NODES, dtype=jnp.int64 if jax.config.jax_enable_x64 else jnp.int32).astype(jnp.int32)
    batch = jnp.sort(jax.random.randint(ks[2], (N_NODES,), 0, NUM_GRAPHS).astype(jnp.int32))
    inp = {"x": x, "edge_index": edge_index, "batch": batch}
    dims = [(FEAT, HID), (HID, HID), (HID, HID)]
    for i, (din, dh) in enumerate(dims):
        s1 = np.sqrt(6.0 / (din + dh))
        s2 = np.sqrt(6.0 / (dh + dh))
        inp[f"W1_{i}"] = jax.random.uniform(ks[3 + 4 * i], (din, dh), jnp.float32, -s1, s1)
        inp[f"b1_{i}"] = jnp.zeros((dh,), jnp.float32)
        inp[f"W2_{i}"] = jax.random.uniform(ks[4 + 4 * i], (dh, dh), jnp.float32, -s2, s2)
        inp[f"b2_{i}"] = jnp.zeros((dh,), jnp.float32)
    return inp


def reference(x, edge_index, batch, W1_0, b1_0, W2_0, b2_0, W1_1, b1_1, W2_1, b2_1, W1_2, b1_2, W2_2, b2_2):
    src = edge_index[0]
    dst = edge_index[1]
    params = [(W1_0, b1_0, W2_0, b2_0), (W1_1, b1_1, W2_1, b2_1), (W1_2, b1_2, W2_2, b2_2)]
    h = x.astype(jnp.float32)
    xs = []
    for (W1, b1, W2, b2) in params:
        # GINConv with eps=0: nn((1+eps)*x + sum_{j in N(i)} x_j)
        agg = jax.ops.segment_sum(h[src], dst, num_segments=N_NODES)
        z = h + agg
        z = jax.nn.relu(z @ W1 + b1)
        z = z @ W2 + b2
        h = jax.nn.relu(z)  # outer activation
        xs.append(h)
    pools = [jax.ops.segment_sum(xx, batch, num_segments=NUM_GRAPHS) for xx in xs]
    return jnp.concatenate(pools, axis=1)

if __name__ == "__main__":
    import jax
    _d = setup_inputs()
    print(jax.jit(kernel)(*tuple(_d.values())))

</pallas_src>

<mosaic_0001>
#map = affine_map<(d0, d1) -> (0, 0)>
module attributes {stable_mosaic.version = 14 : i64} {
  func.func @k(%arg0: i32, %arg1: i32, %arg2: memref<20480x64xf32, #tpu.memory_space<hbm>>, %arg3: memref<2560x128xi32, #tpu.memory_space<hbm>>, %arg4: memref<2560x128xi32, #tpu.memory_space<hbm>>, %arg5: memref<20480x64xf32, #tpu.memory_space<hbm>>, %arg6: memref<160x128xi32, #tpu.memory_space<vmem>>, %arg7: memref<160x128xi32, #tpu.memory_space<vmem>>, %arg8: memref<4x128x64xf32, #tpu.memory_space<vmem>>, %arg9: memref<10240x64xf32, #tpu.memory_space<vmem_shared>>, %arg10: memref<!tpu.dma_semaphore, #tpu.memory_space<semaphore_mem>>, %arg11: memref<!tpu.dma_semaphore, #tpu.memory_space<semaphore_mem>>) attributes {dimension_semantics = [#tpu.dimension_semantics<core_parallel>, #tpu.dimension_semantics<subcore_parallel>], iteration_bounds = array<i64: 2, 16>, scalar_prefetch = 0 : i64, scratch_operands = 6 : i64, tpu.core_type = #tpu.core_type<sc_vector_subcore>, window_params = [{transform_indices = #map}, {transform_indices = #map}, {transform_indices = #map}, {transform_indices = #map}]} {
    %mul3A = arith.constant 10240 : i32
    %mul3A_0 = arith.muli %arg0, %mul3A : i32
    %mul3A_1 = arith.constant 640 : i32
    %mul3A_2 = arith.muli %arg1, %mul3A_1 : i32
    %add3A = arith.addi %mul3A_0, %mul3A_2 : i32
    %mul3A_3 = arith.constant 640 : i32
    %mul3A_4 = arith.muli %arg1, %mul3A_3 : i32
    "tpu.region"() ({
      %run_scoped3A = tpu.sem_alloc : memref<!tpu.dma_semaphore, #tpu.memory_space<semaphore_mem>>
      %dma_start3A_65 = arith.constant 0 : i32
      %dma_start3A_66 = tpu.memref_slice %arg9[%mul3A_4, %dma_start3A_65] : memref<10240x64xf32, #tpu.memory_space<vmem_shared>> -> memref<640x64xf32, #tpu.memory_space<vmem_shared>>
      %dma_start3A_67 = arith.constant 0 : i32
      %dma_start3A_68 = tpu.memref_slice %arg2[%add3A, %dma_start3A_67] : memref<20480x64xf32, #tpu.memory_space<hbm>> -> memref<640x64xf32, #tpu.memory_space<hbm>>
      tpu.enqueue_dma source(%dma_start3A_68 : memref<640x64xf32, #tpu.memory_space<hbm>>) target(%dma_start3A_66 : memref<640x64xf32, #tpu.memory_space<vmem_shared>>) target_semaphore(%run_scoped3A : memref<!tpu.dma_semaphore, #tpu.memory_space<semaphore_mem>>)
      %dma_wait3A = arith.constant 0 : i32
      %dma_wait3A_69 = tpu.memref_slice %arg9[%mul3A_4, %dma_wait3A] : memref<10240x64xf32, #tpu.memory_space<vmem_shared>> -> memref<640x64xf32, #tpu.memory_space<vmem_shared>>
      %dma_wait3A_70 = arith.constant 0 : i32
      %dma_wait3A_71 = tpu.memref_slice %arg2[%add3A, %dma_wait3A_70] : memref<20480x64xf32, #tpu.memory_space<hbm>> -> memref<640x64xf32, #tpu.memory_space<hbm>>
      tpu.wait_dma2 semaphore(%run_scoped3A : memref<!tpu.dma_semaphore, #tpu.memory_space<semaphore_mem>>) src(%dma_wait3A_71 : memref<640x64xf32, #tpu.memory_space<hbm>>) dst(%dma_wait3A_69 : memref<640x64xf32, #tpu.memory_space<vmem_shared>>)
      tpu.yield
    }) : () -> ()
    %mul3A_5 = arith.constant 160 : i32
    %mul3A_6 = arith.muli %arg1, %mul3A_5 : i32
    "tpu.region"() ({
      %run_scoped3A = tpu.sem_alloc : memref<!tpu.dma_semaphore, #tpu.memory_space<semaphore_mem>>
      %dma_start3A_65 = arith.constant 0 : i32
      %dma_start3A_66 = tpu.memref_slice %arg3[%mul3A_6, %dma_start3A_65] : memref<2560x128xi32, #tpu.memory_space<hbm>> -> memref<160x128xi32, #tpu.memory_space<hbm>>
      %dma_start3A_67 = arith.constant 0 : i32
      %dma_start3A_68 = tpu.memref_slice %arg3[%mul3A_6, %dma_start3A_67] : memref<2560x128xi32, #tpu.memory_space<hbm>> -> memref<160x128xi32, #tpu.memory_space<hbm>>
      tpu.enqueue_dma source(%dma_start3A_68 : memref<160x128xi32, #tpu.memory_space<hbm>>) target(%arg6 : memref<160x128xi32, #tpu.memory_space<vmem>>) target_semaphore(%run_scoped3A : memref<!tpu.dma_semaphore, #tpu.memory_space<semaphore_mem>>)
      %dma_wait3A = arith.constant 0 : i32
      %dma_wait3A_69 = tpu.memref_slice %arg3[%mul3A_6, %dma_wait3A] : memref<2560x128xi32, #tpu.memory_space<hbm>> -> memref<160x128xi32, #tpu.memory_space<hbm>>
      %dma_wait3A_70 = arith.constant 0 : i32
      %dma_wait3A_71 = tpu.memref_slice %arg3[%mul3A_6, %dma_wait3A_70] : memref<2560x128xi32, #tpu.memory_space<hbm>> -> memref<160x128xi32, #tpu.memory_space<hbm>>
      tpu.wait_dma2 semaphore(%run_scoped3A : memref<!tpu.dma_semaphore, #tpu.memory_space<semaphore_mem>>) src(%dma_wait3A_71 : memref<160x128xi32, #tpu.memory_space<hbm>>) dst(%arg6 : memref<160x128xi32, #tpu.memory_space<vmem>>)
      tpu.yield
    }) : () -> ()
    %mul3A_7 = arith.constant 160 : i32
    %mul3A_8 = arith.muli %arg1, %mul3A_7 : i32
    "tpu.region"() ({
      %run_scoped3A = tpu.sem_alloc : memref<!tpu.dma_semaphore, #tpu.memory_space<semaphore_mem>>
      %dma_start3A_65 = arith.constant 0 : i32
      %dma_start3A_66 = tpu.memref_slice %arg4[%mul3A_8, %dma_start3A_65] : memref<2560x128xi32, #tpu.memory_space<hbm>> -> memref<160x128xi32, #tpu.memory_space<hbm>>
      %dma_start3A_67 = arith.constant 0 : i32
      %dma_start3A_68 = tpu.memref_slice %arg4[%mul3A_8, %dma_start3A_67] : memref<2560x128xi32, #tpu.memory_space<hbm>> -> memref<160x128xi32, #tpu.memory_space<hbm>>
      tpu.enqueue_dma source(%dma_start3A_68 : memref<160x128xi32, #tpu.memory_space<hbm>>) target(%arg7 : memref<160x128xi32, #tpu.memory_space<vmem>>) target_semaphore(%run_scoped3A : memref<!tpu.dma_semaphore, #tpu.memory_space<semaphore_mem>>)
      %dma_wait3A = arith.constant 0 : i32
      %dma_wait3A_69 = tpu.memref_slice %arg4[%mul3A_8, %dma_wait3A] : memref<2560x128xi32, #tpu.memory_space<hbm>> -> memref<160x128xi32, #tpu.memory_space<hbm>>
      %dma_wait3A_70 = arith.constant 0 : i32
      %dma_wait3A_71 = tpu.memref_slice %arg4[%mul3A_8, %dma_wait3A_70] : memref<2560x128xi32, #tpu.memory_space<hbm>> -> memref<160x128xi32, #tpu.memory_space<hbm>>
      tpu.wait_dma2 semaphore(%run_scoped3A : memref<!tpu.dma_semaphore, #tpu.memory_space<semaphore_mem>>) src(%dma_wait3A_71 : memref<160x128xi32, #tpu.memory_space<hbm>>) dst(%arg7 : memref<160x128xi32, #tpu.memory_space<vmem>>)
      tpu.yield
    }) : () -> ()
    %barrier3A = arith.constant 0 : index
    tpu.barrier barrier_id(%barrier3A)
    %mul3A_9 = arith.constant 10240 : i32
    %mul3A_10 = arith.muli %arg0, %mul3A_9 : i32
    %dma_start3A = arith.constant 0 : i32
    %dma_start3A_11 = arith.constant 0 : i32
    %dma_start3A_12 = arith.constant 0 : i32
    %dma_start3A_13 = arith.constant 0 : i32
    %dma_start3A_14 = tpu.memref_slice %arg8[%dma_start3A_11, %dma_start3A_12, %dma_start3A_13] : memref<4x128x64xf32, #tpu.memory_space<vmem>> -> memref<1x128x64xf32, #tpu.memory_space<vmem>>
    %dma_start3A_15 = tpu.memref_squeeze %dma_start3A_14 : memref<1x128x64xf32, #tpu.memory_space<vmem>> -> memref<128x64xf32, #tpu.memory_space<vmem>>
    %dma_start3A_16 = arith.constant 0 : i32
    %dma_start3A_17 = tpu.memref_slice %arg6[%dma_start3A, %dma_start3A_16] : memref<160x128xi32, #tpu.memory_space<vmem>> -> memref<1x128xi32, #tpu.memory_space<vmem>>
    %dma_start3A_18 = tpu.memref_squeeze %dma_start3A_17 : memref<1x128xi32, #tpu.memory_space<vmem>> -> memref<128xi32, #tpu.memory_space<vmem>>
    %dma_start3A_19 = arith.constant 0 : i32
    %dma_start3A_20 = tpu.memref_slice %arg2[%mul3A_10, %dma_start3A_19] : memref<20480x64xf32, #tpu.memory_space<hbm>> -> memref<10240x64xf32, #tpu.memory_space<hbm>>
    %dma_start3A_21 = arith.constant 0 : i32
    %dma_start3A_22 = arith.constant 0 : i32
    %dma_start3A_23 = tpu.memref_slice %dma_start3A_20[%dma_start3A_21, %dma_start3A_22] : memref<10240x64xf32, #tpu.memory_space<hbm>> -> memref<10240x64xf32, #tpu.memory_space<hbm>>
    tpu.enqueue_indirect_dma source(%dma_start3A_23 : memref<10240x64xf32, #tpu.memory_space<hbm>>) target(%dma_start3A_15 : memref<128x64xf32, #tpu.memory_space<vmem>>) offsets(%dma_start3A_18 : memref<128xi32, #tpu.memory_space<vmem>>) semaphore(%arg10 : memref<!tpu.dma_semaphore, #tpu.memory_space<semaphore_mem>>)
    %dma_start3A_24 = arith.constant 1 : i32
    %dma_start3A_25 = arith.constant 1 : i32
    %dma_start3A_26 = arith.constant 0 : i32
    %dma_start3A_27 = arith.constant 0 : i32
    %dma_start3A_28 = tpu.memref_slice %arg8[%dma_start3A_25, %dma_start3A_26, %dma_start3A_27] : memref<4x128x64xf32, #tpu.memory_space<vmem>> -> memref<1x128x64xf32, #tpu.memory_space<vmem>>
    %dma_start3A_29 = tpu.memref_squeeze %dma_start3A_28 : memref<1x128x64xf32, #tpu.memory_space<vmem>> -> memref<128x64xf32, #tpu.memory_space<vmem>>
    %dma_start3A_30 = arith.constant 0 : i32
    %dma_start3A_31 = tpu.memref_slice %arg6[%dma_start3A_24, %dma_start3A_30] : memref<160x128xi32, #tpu.memory_space<vmem>> -> memref<1x128xi32, #tpu.memory_space<vmem>>
    %dma_start3A_32 = tpu.memref_squeeze %dma_start3A_31 : memref<1x128xi32, #tpu.memory_space<vmem>> -> memref<128xi32, #tpu.memory_space<vmem>>
    %dma_start3A_33 = arith.constant 0 : i32
    %dma_start3A_34 = tpu.memref_slice %arg2[%mul3A_10, %dma_start3A_33] : memref<20480x64xf32, #tpu.memory_space<hbm>> -> memref<10240x64xf32, #tpu.memory_space<hbm>>
    %dma_start3A_35 = arith.constant 0 : i32
    %dma_start3A_36 = arith.constant 0 : i32
    %dma_start3A_37 = tpu.memref_slice %dma_start3A_34[%dma_start3A_35, %dma_start3A_36] : memref<10240x64xf32, #tpu.memory_space<hbm>> -> memref<10240x64xf32, #tpu.memory_space<hbm>>
    tpu.enqueue_indirect_dma source(%dma_start3A_37 : memref<10240x64xf32, #tpu.memory_space<hbm>>) target(%dma_start3A_29 : memref<128x64xf32, #tpu.memory_space<vmem>>) offsets(%dma_start3A_32 : memref<128xi32, #tpu.memory_space<vmem>>) semaphore(%arg10 : memref<!tpu.dma_semaphore, #tpu.memory_space<semaphore_mem>>)
    %dma_start3A_38 = arith.constant 2 : i32
    %dma_start3A_39 = arith.constant 2 : i32
    %dma_start3A_40 = arith.constant 0 : i32
    %dma_start3A_41 = arith.constant 0 : i32
    %dma_start3A_42 = tpu.memref_slice %arg8[%dma_start3A_39, %dma_start3A_40, %dma_start3A_41] : memref<4x128x64xf32, #tpu.memory_space<vmem>> -> memref<1x128x64xf32, #tpu.memory_space<vmem>>
    %dma_start3A_43 = tpu.memref_squeeze %dma_start3A_42 : memref<1x128x64xf32, #tpu.memory_space<vmem>> -> memref<128x64xf32, #tpu.memory_space<vmem>>
    %dma_start3A_44 = arith.constant 0 : i32
    %dma_start3A_45 = tpu.memref_slice %arg6[%dma_start3A_38, %dma_start3A_44] : memref<160x128xi32, #tpu.memory_space<vmem>> -> memref<1x128xi32, #tpu.memory_space<vmem>>
    %dma_start3A_46 = tpu.memref_squeeze %dma_start3A_45 : memref<1x128xi32, #tpu.memory_space<vmem>> -> memref<128xi32, #tpu.memory_space<vmem>>
    %dma_start3A_47 = arith.constant 0 : i32
    %dma_start3A_48 = tpu.memref_slice %arg2[%mul3A_10, %dma_start3A_47] : memref<20480x64xf32, #tpu.memory_space<hbm>> -> memref<10240x64xf32, #tpu.memory_space<hbm>>
    %dma_start3A_49 = arith.constant 0 : i32
    %dma_start3A_50 = arith.constant 0 : i32
    %dma_start3A_51 = tpu.memref_slice %dma_start3A_48[%dma_start3A_49, %dma_start3A_50] : memref<10240x64xf32, #tpu.memory_space<hbm>> -> memref<10240x64xf32, #tpu.memory_space<hbm>>
    tpu.enqueue_indirect_dma source(%dma_start3A_51 : memref<10240x64xf32, #tpu.memory_space<hbm>>) target(%dma_start3A_43 : memref<128x64xf32, #tpu.memory_space<vmem>>) offsets(%dma_start3A_46 : memref<128xi32, #tpu.memory_space<vmem>>) semaphore(%arg10 : memref<!tpu.dma_semaphore, #tpu.memory_space<semaphore_mem>>)
    %scan3A = arith.constant 0 : i32
    %scan3A_52 = arith.constant 0 : i32
    %scan3A_53 = arith.constant 160 : i32
    %scan3A_54 = arith.addi %scan3A_52, %scan3A_53 : i32
    %scan3A_55 = arith.constant 1 : i32
    scf.for %scan3A_65 = %scan3A_52 to %scan3A_54 step %scan3A_55  : i32 {
      %rem3A = arith.constant 4 : i32
      %rem3A_66 = arith.remsi %scan3A_65, %rem3A : i32
      %dma_wait3A = arith.constant 0 : i32
      %dma_wait3A_67 = arith.constant 0 : i32
      %dma_wait3A_68 = tpu.memref_slice %arg8[%rem3A_66, %dma_wait3A, %dma_wait3A_67] : memref<4x128x64xf32, #tpu.memory_space<vmem>> -> memref<1x128x64xf32, #tpu.memory_space<vmem>>
      %dma_wait3A_69 = tpu.memref_squeeze %dma_wait3A_68 : memref<1x128x64xf32, #tpu.memory_space<vmem>> -> memref<128x64xf32, #tpu.memory_space<vmem>>
      %dma_wait3A_70 = arith.constant 0 : i32
      %dma_wait3A_71 = tpu.memref_slice %arg6[%scan3A_65, %dma_wait3A_70] : memref<160x128xi32, #tpu.memory_space<vmem>> -> memref<1x128xi32, #tpu.memory_space<vmem>>
      %dma_wait3A_72 = tpu.memref_squeeze %dma_wait3A_71 : memref<1x128xi32, #tpu.memory_space<vmem>> -> memref<128xi32, #tpu.memory_space<vmem>>
      %dma_wait3A_73 = arith.constant 0 : i32
      %dma_wait3A_74 = tpu.memref_slice %arg2[%mul3A_10, %dma_wait3A_73] : memref<20480x64xf32, #tpu.memory_space<hbm>> -> memref<10240x64xf32, #tpu.memory_space<hbm>>
      %dma_wait3A_75 = arith.constant 0 : i32
      %dma_wait3A_76 = arith.constant 0 : i32
      %dma_wait3A_77 = tpu.memref_slice %dma_wait3A_74[%dma_wait3A_75, %dma_wait3A_76] : memref<10240x64xf32, #tpu.memory_space<hbm>> -> memref<10240x64xf32, #tpu.memory_space<hbm>>
      tpu.wait_indirect_dma semaphore(%arg10 : memref<!tpu.dma_semaphore, #tpu.memory_space<semaphore_mem>>) src(%dma_wait3A_77 : memref<10240x64xf32, #tpu.memory_space<hbm>>) dst(%dma_wait3A_69 : memref<128x64xf32, #tpu.memory_space<vmem>>)
      %add3A_78 = arith.constant 4 : i32
      %add3A_79 = arith.addi %scan3A_65, %add3A_78 : i32
      %sub3A = arith.constant 1 : i32
      %sub3A_80 = arith.subi %add3A_79, %sub3A : i32
      %lt3A = arith.constant 160 : i32
      %lt3A_81 = arith.cmpi slt, %sub3A_80, %lt3A : i32
      %convert_element_type3A = arith.extui %lt3A_81 : i1 to i32
      %cond3A = arith.constant 0 : i32
      %cond3A_82 = arith.cmpi ne, %convert_element_type3A, %cond3A : i32
      scf.if %cond3A_82 {
        %add3A_83 = arith.constant 4 : i32
        %add3A_84 = arith.addi %scan3A_65, %add3A_83 : i32
        %sub3A_85 = arith.constant 1 : i32
        %sub3A_86 = arith.subi %add3A_84, %sub3A_85 : i32
        %rem3A_87 = arith.constant 4 : i32
        %rem3A_88 = arith.remsi %sub3A_86, %rem3A_87 : i32
        %dma_start3A_89 = arith.constant 0 : i32
        %dma_start3A_90 = arith.constant 0 : i32
        %dma_start3A_91 = tpu.memref_slice %arg8[%rem3A_88, %dma_start3A_89, %dma_start3A_90] : memref<4x128x64xf32, #tpu.memory_space<vmem>> -> memref<1x128x64xf32, #tpu.memory_space<vmem>>
        %dma_start3A_92 = tpu.memref_squeeze %dma_start3A_91 : memref<1x128x64xf32, #tpu.memory_space<vmem>> -> memref<128x64xf32, #tpu.memory_space<vmem>>
        %dma_start3A_93 = arith.constant 0 : i32
        %dma_start3A_94 = tpu.memref_slice %arg6[%sub3A_86, %dma_start3A_93] : memref<160x128xi32, #tpu.memory_space<vmem>> -> memref<1x128xi32, #tpu.memory_space<vmem>>
        %dma_start3A_95 = tpu.memref_squeeze %dma_start3A_94 : memref<1x128xi32, #tpu.memory_space<vmem>> -> memref<128xi32, #tpu.memory_space<vmem>>
        %dma_start3A_96 = arith.constant 0 : i32
        %dma_start3A_97 = tpu.memref_slice %arg2[%mul3A_10, %dma_start3A_96] : memref<20480x64xf32, #tpu.memory_space<hbm>> -> memref<10240x64xf32, #tpu.memory_space<hbm>>
        %dma_start3A_98 = arith.constant 0 : i32
        %dma_start3A_99 = arith.constant 0 : i32
        %dma_start3A_100 = tpu.memref_slice %dma_start3A_97[%dma_start3A_98, %dma_start3A_99] : memref<10240x64xf32, #tpu.memory_space<hbm>> -> memref<10240x64xf32, #tpu.memory_space<hbm>>
        tpu.enqueue_indirect_dma source(%dma_start3A_100 : memref<10240x64xf32, #tpu.memory_space<hbm>>) target(%dma_start3A_92 : memref<128x64xf32, #tpu.memory_space<vmem>>) offsets(%dma_start3A_95 : memref<128xi32, #tpu.memory_space<vmem>>) semaphore(%arg10 : memref<!tpu.dma_semaphore, #tpu.memory_space<semaphore_mem>>)
      } else {
      }
    }
    %scan3A_56 = arith.constant 160 : i32
    %barrier3A_57 = arith.constant 0 : index
    tpu.barrier barrier_id(%barrier3A_57)
    %mul3A_58 = arith.constant 640 : i32
    %mul3A_59 = arith.muli %arg1, %mul3A_58 : i32
    %mul3A_60 = arith.constant 10240 : i32
    %mul3A_61 = arith.muli %arg0, %mul3A_60 : i32
    %mul3A_62 = arith.constant 640 : i32
    %mul3A_63 = arith.muli %arg1, %mul3A_62 : i32
    %add3A_64 = arith.addi %mul3A_61, %mul3A_63 : i32
    "tpu.region"() ({
      %run_scoped3A = tpu.sem_alloc : memref<!tpu.dma_semaphore, #tpu.memory_space<semaphore_mem>>
      %dma_start3A_65 = arith.constant 0 : i32
      %dma_start3A_66 = tpu.memref_slice %arg5[%add3A_64, %dma_start3A_65] : memref<20480x64xf32, #tpu.memory_space<hbm>> -> memref<640x64xf32, #tpu.memory_space<hbm>>
      %dma_start3A_67 = arith.constant 0 : i32
      %dma_start3A_68 = tpu.memref_slice %arg9[%mul3A_59, %dma_start3A_67] : memref<10240x64xf32, #tpu.memory_space<vmem_shared>> -> memref<640x64xf32, #tpu.memory_space<vmem_shared>>
      tpu.enqueue_dma source(%dma_start3A_68 : memref<640x64xf32, #tpu.memory_space<vmem_shared>>) target(%dma_start3A_66 : memref<640x64xf32, #tpu.memory_space<hbm>>) target_semaphore(%run_scoped3A : memref<!tpu.dma_semaphore, #tpu.memory_space<semaphore_mem>>)
      %dma_wait3A = arith.constant 0 : i32
      %dma_wait3A_69 = tpu.memref_slice %arg5[%add3A_64, %dma_wait3A] : memref<20480x64xf32, #tpu.memory_space<hbm>> -> memref<640x64xf32, #tpu.memory_space<hbm>>
      %dma_wait3A_70 = arith.constant 0 : i32
      %dma_wait3A_71 = tpu.memref_slice %arg9[%mul3A_59, %dma_wait3A_70] : memref<10240x64xf32, #tpu.memory_space<vmem_shared>> -> memref<640x64xf32, #tpu.memory_space<vmem_shared>>
      tpu.wait_dma2 semaphore(%run_scoped3A : memref<!tpu.dma_semaphore, #tpu.memory_space<semaphore_mem>>) src(%dma_wait3A_71 : memref<640x64xf32, #tpu.memory_space<vmem_shared>>) dst(%dma_wait3A_69 : memref<640x64xf32, #tpu.memory_space<hbm>>)
      tpu.yield
    }) : () -> ()
    return
  }
}

#map = affine_map<(d0, d1) -> (0, 0)>
module attributes {stable_mosaic.version = 14 : i64} {
  func.func @k(%arg0: i32, %arg1: i32, %arg2: memref<20480x64xf32, #tpu.memory_space<hbm>>, %arg3: memref<2560x128xi32, #tpu.memory_space<hbm>>, %arg4: memref<2560x128xi32, #tpu.memory_space<hbm>>, %arg5: memref<20480x64xf32, #tpu.memory_space<hbm>>, %arg6: memref<160x128xi32, #tpu.memory_space<vmem>>, %arg7: memref<160x128xi32, #tpu.memory_space<vmem>>, %arg8: memref<4x128x64xf32, #tpu.memory_space<vmem>>, %arg9: memref<10240x64xf32, #tpu.memory_space<vmem_shared>>, %arg10: memref<!tpu.dma_semaphore, #tpu.memory_space<semaphore_mem>>, %arg11: memref<!tpu.dma_semaphore, #tpu.memory_space<semaphore_mem>>) attributes {dimension_semantics = [#tpu.dimension_semantics<core_parallel>, #tpu.dimension_semantics<subcore_parallel>], iteration_bounds = array<i64: 2, 16>, scalar_prefetch = 0 : i64, scratch_operands = 6 : i64, tpu.core_type = #tpu.core_type<sc_vector_subcore>, window_params = [{transform_indices = #map}, {transform_indices = #map}, {transform_indices = #map}, {transform_indices = #map}]} {
    %mul3A = arith.constant 10240 : i32
    %mul3A_0 = arith.muli %arg0, %mul3A : i32
    %mul3A_1 = arith.constant 640 : i32
    %mul3A_2 = arith.muli %arg1, %mul3A_1 : i32
    %add3A = arith.addi %mul3A_0, %mul3A_2 : i32
    %mul3A_3 = arith.constant 640 : i32
    %mul3A_4 = arith.muli %arg1, %mul3A_3 : i32
    "tpu.region"() ({
      %run_scoped3A = tpu.sem_alloc : memref<!tpu.dma_semaphore, #tpu.memory_space<semaphore_mem>>
      %dma_start3A_65 = arith.constant 0 : i32
      %dma_start3A_66 = tpu.memref_slice %arg9[%mul3A_4, %dma_start3A_65] : memref<10240x64xf32, #tpu.memory_space<vmem_shared>> -> memref<640x64xf32, #tpu.memory_space<vmem_shared>>
      %dma_start3A_67 = arith.constant 0 : i32
      %dma_start3A_68 = tpu.memref_slice %arg2[%add3A, %dma_start3A_67] : memref<20480x64xf32, #tpu.memory_space<hbm>> -> memref<640x64xf32, #tpu.memory_space<hbm>>
      tpu.enqueue_dma source(%dma_start3A_68 : memref<640x64xf32, #tpu.memory_space<hbm>>) target(%dma_start3A_66 : memref<640x64xf32, #tpu.memory_space<vmem_shared>>) target_semaphore(%run_scoped3A : memref<!tpu.dma_semaphore, #tpu.memory_space<semaphore_mem>>)
      %dma_wait3A = arith.constant 0 : i32
      %dma_wait3A_69 = tpu.memref_slice %arg9[%mul3A_4, %dma_wait3A] : memref<10240x64xf32, #tpu.memory_space<vmem_shared>> -> memref<640x64xf32, #tpu.memory_space<vmem_shared>>
      %dma_wait3A_70 = arith.constant 0 : i32
      %dma_wait3A_71 = tpu.memref_slice %arg2[%add3A, %dma_wait3A_70] : memref<20480x64xf32, #tpu.memory_space<hbm>> -> memref<640x64xf32, #tpu.memory_space<hbm>>
      tpu.wait_dma2 semaphore(%run_scoped3A : memref<!tpu.dma_semaphore, #tpu.memory_space<semaphore_mem>>) src(%dma_wait3A_71 : memref<640x64xf32, #tpu.memory_space<hbm>>) dst(%dma_wait3A_69 : memref<640x64xf32, #tpu.memory_space<vmem_shared>>)
      tpu.yield
    }) : () -> ()
    %mul3A_5 = arith.constant 160 : i32
    %mul3A_6 = arith.muli %arg1, %mul3A_5 : i32
    "tpu.region"() ({
      %run_scoped3A = tpu.sem_alloc : memref<!tpu.dma_semaphore, #tpu.memory_space<semaphore_mem>>
      %dma_start3A_65 = arith.constant 0 : i32
      %dma_start3A_66 = tpu.memref_slice %arg3[%mul3A_6, %dma_start3A_65] : memref<2560x128xi32, #tpu.memory_space<hbm>> -> memref<160x128xi32, #tpu.memory_space<hbm>>
      %dma_start3A_67 = arith.constant 0 : i32
      %dma_start3A_68 = tpu.memref_slice %arg3[%mul3A_6, %dma_start3A_67] : memref<2560x128xi32, #tpu.memory_space<hbm>> -> memref<160x128xi32, #tpu.memory_space<hbm>>
      tpu.enqueue_dma source(%dma_start3A_68 : memref<160x128xi32, #tpu.memory_space<hbm>>) target(%arg6 : memref<160x128xi32, #tpu.memory_space<vmem>>) target_semaphore(%run_scoped3A : memref<!tpu.dma_semaphore, #tpu.memory_space<semaphore_mem>>)
      %dma_wait3A = arith.constant 0 : i32
      %dma_wait3A_69 = tpu.memref_slice %arg3[%mul3A_6, %dma_wait3A] : memref<2560x128xi32, #tpu.memory_space<hbm>> -> memref<160x128xi32, #tpu.memory_space<hbm>>
      %dma_wait3A_70 = arith.constant 0 : i32
      %dma_wait3A_71 = tpu.memref_slice %arg3[%mul3A_6, %dma_wait3A_70] : memref<2560x128xi32, #tpu.memory_space<hbm>> -> memref<160x128xi32, #tpu.memory_space<hbm>>
      tpu.wait_dma2 semaphore(%run_scoped3A : memref<!tpu.dma_semaphore, #tpu.memory_space<semaphore_mem>>) src(%dma_wait3A_71 : memref<160x128xi32, #tpu.memory_space<hbm>>) dst(%arg6 : memref<160x128xi32, #tpu.memory_space<vmem>>)
      tpu.yield
    }) : () -> ()
    %mul3A_7 = arith.constant 160 : i32
    %mul3A_8 = arith.muli %arg1, %mul3A_7 : i32
    "tpu.region"() ({
      %run_scoped3A = tpu.sem_alloc : memref<!tpu.dma_semaphore, #tpu.memory_space<semaphore_mem>>
      %dma_start3A_65 = arith.constant 0 : i32
      %dma_start3A_66 = tpu.memref_slice %arg4[%mul3A_8, %dma_start3A_65] : memref<2560x128xi32, #tpu.memory_space<hbm>> -> memref<160x128xi32, #tpu.memory_space<hbm>>
      %dma_start3A_67 = arith.constant 0 : i32
      %dma_start3A_68 = tpu.memref_slice %arg4[%mul3A_8, %dma_start3A_67] : memref<2560x128xi32, #tpu.memory_space<hbm>> -> memref<160x128xi32, #tpu.memory_space<hbm>>
      tpu.enqueue_dma source(%dma_start3A_68 : memref<160x128xi32, #tpu.memory_space<hbm>>) target(%arg7 : memref<160x128xi32, #tpu.memory_space<vmem>>) target_semaphore(%run_scoped3A : memref<!tpu.dma_semaphore, #tpu.memory_space<semaphore_mem>>)
      %dma_wait3A = arith.constant 0 : i32
      %dma_wait3A_69 = tpu.memref_slice %arg4[%mul3A_8, %dma_wait3A] : memref<2560x128xi32, #tpu.memory_space<hbm>> -> memref<160x128xi32, #tpu.memory_space<hbm>>
      %dma_wait3A_70 = arith.constant 0 : i32
      %dma_wait3A_71 = tpu.memref_slice %arg4[%mul3A_8, %dma_wait3A_70] : memref<2560x128xi32, #tpu.memory_space<hbm>> -> memref<160x128xi32, #tpu.memory_space<hbm>>
      tpu.wait_dma2 semaphore(%run_scoped3A : memref<!tpu.dma_semaphore, #tpu.memory_space<semaphore_mem>>) src(%dma_wait3A_71 : memref<160x128xi32, #tpu.memory_space<hbm>>) dst(%arg7 : memref<160x128xi32, #tpu.memory_space<vmem>>)
      tpu.yield
    }) : () -> ()
    %barrier3A = arith.constant 0 : index
    tpu.barrier barrier_id(%barrier3A)
    %mul3A_9 = arith.constant 10240 : i32
    %mul3A_10 = arith.muli %arg0, %mul3A_9 : i32
    %dma_start3A = arith.constant 0 : i32
    %dma_start3A_11 = arith.constant 0 : i32
    %dma_start3A_12 = arith.constant 0 : i32
    %dma_start3A_13 = arith.constant 0 : i32
    %dma_start3A_14 = tpu.memref_slice %arg8[%dma_start3A_11, %dma_start3A_12, %dma_start3A_13] : memref<4x128x64xf32, #tpu.memory_space<vmem>> -> memref<1x128x64xf32, #tpu.memory_space<vmem>>
    %dma_start3A_15 = tpu.memref_squeeze %dma_start3A_14 : memref<1x128x64xf32, #tpu.memory_space<vmem>> -> memref<128x64xf32, #tpu.memory_space<vmem>>
    %dma_start3A_16 = arith.constant 0 : i32
    %dma_start3A_17 = tpu.memref_slice %arg6[%dma_start3A, %dma_start3A_16] : memref<160x128xi32, #tpu.memory_space<vmem>> -> memref<1x128xi32, #tpu.memory_space<vmem>>
    %dma_start3A_18 = tpu.memref_squeeze %dma_start3A_17 : memref<1x128xi32, #tpu.memory_space<vmem>> -> memref<128xi32, #tpu.memory_space<vmem>>
    %dma_start3A_19 = arith.constant 0 : i32
    %dma_start3A_20 = tpu.memref_slice %arg2[%mul3A_10, %dma_start3A_19] : memref<20480x64xf32, #tpu.memory_space<hbm>> -> memref<10240x64xf32, #tpu.memory_space<hbm>>
    %dma_start3A_21 = arith.constant 0 : i32
    %dma_start3A_22 = arith.constant 0 : i32
    %dma_start3A_23 = tpu.memref_slice %dma_start3A_20[%dma_start3A_21, %dma_start3A_22] : memref<10240x64xf32, #tpu.memory_space<hbm>> -> memref<10240x64xf32, #tpu.memory_space<hbm>>
    tpu.enqueue_indirect_dma source(%dma_start3A_23 : memref<10240x64xf32, #tpu.memory_space<hbm>>) target(%dma_start3A_15 : memref<128x64xf32, #tpu.memory_space<vmem>>) offsets(%dma_start3A_18 : memref<128xi32, #tpu.memory_space<vmem>>) semaphore(%arg10 : memref<!tpu.dma_semaphore, #tpu.memory_space<semaphore_mem>>)
    %dma_start3A_24 = arith.constant 1 : i32
    %dma_start3A_25 = arith.constant 1 : i32
    %dma_start3A_26 = arith.constant 0 : i32
    %dma_start3A_27 = arith.constant 0 : i32
    %dma_start3A_28 = tpu.memref_slice %arg8[%dma_start3A_25, %dma_start3A_26, %dma_start3A_27] : memref<4x128x64xf32, #tpu.memory_space<vmem>> -> memref<1x128x64xf32, #tpu.memory_space<vmem>>
    %dma_start3A_29 = tpu.memref_squeeze %dma_start3A_28 : memref<1x128x64xf32, #tpu.memory_space<vmem>> -> memref<128x64xf32, #tpu.memory_space<vmem>>
    %dma_start3A_30 = arith.constant 0 : i32
    %dma_start3A_31 = tpu.memref_slice %arg6[%dma_start3A_24, %dma_start3A_30] : memref<160x128xi32, #tpu.memory_space<vmem>> -> memref<1x128xi32, #tpu.memory_space<vmem>>
    %dma_start3A_32 = tpu.memref_squeeze %dma_start3A_31 : memref<1x128xi32, #tpu.memory_space<vmem>> -> memref<128xi32, #tpu.memory_space<vmem>>
    %dma_start3A_33 = arith.constant 0 : i32
    %dma_start3A_34 = tpu.memref_slice %arg2[%mul3A_10, %dma_start3A_33] : memref<20480x64xf32, #tpu.memory_space<hbm>> -> memref<10240x64xf32, #tpu.memory_space<hbm>>
    %dma_start3A_35 = arith.constant 0 : i32
    %dma_start3A_36 = arith.constant 0 : i32
    %dma_start3A_37 = tpu.memref_slice %dma_start3A_34[%dma_start3A_35, %dma_start3A_36] : memref<10240x64xf32, #tpu.memory_space<hbm>> -> memref<10240x64xf32, #tpu.memory_space<hbm>>
    tpu.enqueue_indirect_dma source(%dma_start3A_37 : memref<10240x64xf32, #tpu.memory_space<hbm>>) target(%dma_start3A_29 : memref<128x64xf32, #tpu.memory_space<vmem>>) offsets(%dma_start3A_32 : memref<128xi32, #tpu.memory_space<vmem>>) semaphore(%arg10 : memref<!tpu.dma_semaphore, #tpu.memory_space<semaphore_mem>>)
    %dma_start3A_38 = arith.constant 2 : i32
    %dma_start3A_39 = arith.constant 2 : i32
    %dma_start3A_40 = arith.constant 0 : i32
    %dma_start3A_41 = arith.constant 0 : i32
    %dma_start3A_42 = tpu.memref_slice %arg8[%dma_start3A_39, %dma_start3A_40, %dma_start3A_41] : memref<4x128x64xf32, #tpu.memory_space<vmem>> -> memref<1x128x64xf32, #tpu.memory_space<vmem>>
    %dma_start3A_43 = tpu.memref_squeeze %dma_start3A_42 : memref<1x128x64xf32, #tpu.memory_space<vmem>> -> memref<128x64xf32, #tpu.memory_space<vmem>>
    %dma_start3A_44 = arith.constant 0 : i32
    %dma_start3A_45 = tpu.memref_slice %arg6[%dma_start3A_38, %dma_start3A_44] : memref<160x128xi32, #tpu.memory_space<vmem>> -> memref<1x128xi32, #tpu.memory_space<vmem>>
    %dma_start3A_46 = tpu.memref_squeeze %dma_start3A_45 : memref<1x128xi32, #tpu.memory_space<vmem>> -> memref<128xi32, #tpu.memory_space<vmem>>
    %dma_start3A_47 = arith.constant 0 : i32
    %dma_start3A_48 = tpu.memref_slice %arg2[%mul3A_10, %dma_start3A_47] : memref<20480x64xf32, #tpu.memory_space<hbm>> -> memref<10240x64xf32, #tpu.memory_space<hbm>>
    %dma_start3A_49 = arith.constant 0 : i32
    %dma_start3A_50 = arith.constant 0 : i32
    %dma_start3A_51 = tpu.memref_slice %dma_start3A_48[%dma_start3A_49, %dma_start3A_50] : memref<10240x64xf32, #tpu.memory_space<hbm>> -> memref<10240x64xf32, #tpu.memory_space<hbm>>
    tpu.enqueue_indirect_dma source(%dma_start3A_51 : memref<10240x64xf32, #tpu.memory_space<hbm>>) target(%dma_start3A_43 : memref<128x64xf32, #tpu.memory_space<vmem>>) offsets(%dma_start3A_46 : memref<128xi32, #tpu.memory_space<vmem>>) semaphore(%arg10 : memref<!tpu.dma_semaphore, #tpu.memory_space<semaphore_mem>>)
    %scan3A = arith.constant 0 : i32
    %scan3A_52 = arith.constant 0 : i32
    %scan3A_53 = arith.constant 160 : i32
    %scan3A_54 = arith.addi %scan3A_52, %scan3A_53 : i32
    %scan3A_55 = arith.constant 1 : i32
    scf.for %scan3A_65 = %scan3A_52 to %scan3A_54 step %scan3A_55  : i32 {
      %rem3A = arith.constant 4 : i32
      %rem3A_66 = arith.remsi %scan3A_65, %rem3A : i32
      %dma_wait3A = arith.constant 0 : i32
      %dma_wait3A_67 = arith.constant 0 : i32
      %dma_wait3A_68 = tpu.memref_slice %arg8[%rem3A_66, %dma_wait3A, %dma_wait3A_67] : memref<4x128x64xf32, #tpu.memory_space<vmem>> -> memref<1x128x64xf32, #tpu.memory_space<vmem>>
      %dma_wait3A_69 = tpu.memref_squeeze %dma_wait3A_68 : memref<1x128x64xf32, #tpu.memory_space<vmem>> -> memref<128x64xf32, #tpu.memory_space<vmem>>
      %dma_wait3A_70 = arith.constant 0 : i32
      %dma_wait3A_71 = tpu.memref_slice %arg6[%scan3A_65, %dma_wait3A_70] : memref<160x128xi32, #tpu.memory_space<vmem>> -> memref<1x128xi32, #tpu.memory_space<vmem>>
      %dma_wait3A_72 = tpu.memref_squeeze %dma_wait3A_71 : memref<1x128xi32, #tpu.memory_space<vmem>> -> memref<128xi32, #tpu.memory_space<vmem>>
      %dma_wait3A_73 = arith.constant 0 : i32
      %dma_wait3A_74 = tpu.memref_slice %arg2[%mul3A_10, %dma_wait3A_73] : memref<20480x64xf32, #tpu.memory_space<hbm>> -> memref<10240x64xf32, #tpu.memory_space<hbm>>
      %dma_wait3A_75 = arith.constant 0 : i32
      %dma_wait3A_76 = arith.constant 0 : i32
      %dma_wait3A_77 = tpu.memref_slice %dma_wait3A_74[%dma_wait3A_75, %dma_wait3A_76] : memref<10240x64xf32, #tpu.memory_space<hbm>> -> memref<10240x64xf32, #tpu.memory_space<hbm>>
      tpu.wait_indirect_dma semaphore(%arg10 : memref<!tpu.dma_semaphore, #tpu.memory_space<semaphore_mem>>) src(%dma_wait3A_77 : memref<10240x64xf32, #tpu.memory_space<hbm>>) dst(%dma_wait3A_69 : memref<128x64xf32, #tpu.memory_space<vmem>>)
      %add3A_78 = arith.constant 4 : i32
      %add3A_79 = arith.addi %scan3A_65, %add3A_78 : i32
      %sub3A = arith.constant 1 : i32
      %sub3A_80 = arith.subi %add3A_79, %sub3A : i32
      %lt3A = arith.constant 160 : i32
      %lt3A_81 = arith.cmpi slt, %sub3A_80, %lt3A : i32
      %convert_element_type3A = arith.extui %lt3A_81 : i1 to i32
      %cond3A = arith.constant 0 : i32
      %cond3A_82 = arith.cmpi ne, %convert_element_type3A, %cond3A : i32
      scf.if %cond3A_82 {
        %add3A_83 = arith.constant 4 : i32
        %add3A_84 = arith.addi %scan3A_65, %add3A_83 : i32
        %sub3A_85 = arith.constant 1 : i32
        %sub3A_86 = arith.subi %add3A_84, %sub3A_85 : i32
        %rem3A_87 = arith.constant 4 : i32
        %rem3A_88 = arith.remsi %sub3A_86, %rem3A_87 : i32
        %dma_start3A_89 = arith.constant 0 : i32
        %dma_start3A_90 = arith.constant 0 : i32
        %dma_start3A_91 = tpu.memref_slice %arg8[%rem3A_88, %dma_start3A_89, %dma_start3A_90] : memref<4x128x64xf32, #tpu.memory_space<vmem>> -> memref<1x128x64xf32, #tpu.memory_space<vmem>>
        %dma_start3A_92 = tpu.memref_squeeze %dma_start3A_91 : memref<1x128x64xf32, #tpu.memory_space<vmem>> -> memref<128x64xf32, #tpu.memory_space<vmem>>
        %dma_start3A_93 = arith.constant 0 : i32
        %dma_start3A_94 = tpu.memref_slice %arg6[%sub3A_86, %dma_start3A_93] : memref<160x128xi32, #tpu.memory_space<vmem>> -> memref<1x128xi32, #tpu.memory_space<vmem>>
        %dma_start3A_95 = tpu.memref_squeeze %dma_start3A_94 : memref<1x128xi32, #tpu.memory_space<vmem>> -> memref<128xi32, #tpu.memory_space<vmem>>
        %dma_start3A_96 = arith.constant 0 : i32
        %dma_start3A_97 = tpu.memref_slice %arg2[%mul3A_10, %dma_start3A_96] : memref<20480x64xf32, #tpu.memory_space<hbm>> -> memref<10240x64xf32, #tpu.memory_space<hbm>>
        %dma_start3A_98 = arith.constant 0 : i32
        %dma_start3A_99 = arith.constant 0 : i32
        %dma_start3A_100 = tpu.memref_slice %dma_start3A_97[%dma_start3A_98, %dma_start3A_99] : memref<10240x64xf32, #tpu.memory_space<hbm>> -> memref<10240x64xf32, #tpu.memory_space<hbm>>
        tpu.enqueue_indirect_dma source(%dma_start3A_100 : memref<10240x64xf32, #tpu.memory_space<hbm>>) target(%dma_start3A_92 : memref<128x64xf32, #tpu.memory_space<vmem>>) offsets(%dma_start3A_95 : memref<128xi32, #tpu.memory_space<vmem>>) semaphore(%arg10 : memref<!tpu.dma_semaphore, #tpu.memory_space<semaphore_mem>>)
      } else {
      }
    }
    %scan3A_56 = arith.constant 160 : i32
    %barrier3A_57 = arith.constant 0 : index
    tpu.barrier barrier_id(%barrier3A_57)
    %mul3A_58 = arith.constant 640 : i32
    %mul3A_59 = arith.muli %arg1, %mul3A_58 : i32
    %mul3A_60 = arith.constant 10240 : i32
    %mul3A_61 = arith.muli %arg0, %mul3A_60 : i32
    %mul3A_62 = arith.constant 640 : i32
    %mul3A_63 = arith.muli %arg1, %mul3A_62 : i32
    %add3A_64 = arith.addi %mul3A_61, %mul3A_63 : i32
    "tpu.region"() ({
      %run_scoped3A = tpu.sem_alloc : memref<!tpu.dma_semaphore, #tpu.memory_space<semaphore_mem>>
      %dma_start3A_65 = arith.constant 0 : i32
      %dma_start3A_66 = tpu.memref_slice %arg5[%add3A_64, %dma_start3A_65] : memref<20480x64xf32, #tpu.memory_space<hbm>> -> memref<640x64xf32, #tpu.memory_space<hbm>>
      %dma_start3A_67 = arith.constant 0 : i32
      %dma_start3A_68 = tpu.memref_slice %arg9[%mul3A_59, %dma_start3A_67] : memref<10240x64xf32, #tpu.memory_space<vmem_shared>> -> memref<640x64xf32, #tpu.memory_space<vmem_shared>>
      tpu.enqueue_dma source(%dma_start3A_68 : memref<640x64xf32, #tpu.memory_space<vmem_shared>>) target(%dma_start3A_66 : memref<640x64xf32, #tpu.memory_space<hbm>>) target_semaphore(%run_scoped3A : memref<!tpu.dma_semaphore, #tpu.memory_space<semaphore_mem>>)
      %dma_wait3A = arith.constant 0 : i32
      %dma_wait3A_69 = tpu.memref_slice %arg5[%add3A_64, %dma_wait3A] : memref<20480x64xf32, #tpu.memory_space<hbm>> -> memref<640x64xf32, #tpu.memory_space<hbm>>
      %dma_wait3A_70 = arith.constant 0 : i32
      %dma_wait3A_71 = tpu.memref_slice %arg9[%mul3A_59, %dma_wait3A_70] : memref<10240x64xf32, #tpu.memory_space<vmem_shared>> -> memref<640x64xf32, #tpu.memory_space<vmem_shared>>
      tpu.wait_dma2 semaphore(%run_scoped3A : memref<!tpu.dma_semaphore, #tpu.memory_space<semaphore_mem>>) src(%dma_wait3A_71 : memref<640x64xf32, #tpu.memory_space<vmem_shared>>) dst(%dma_wait3A_69 : memref<640x64xf32, #tpu.memory_space<hbm>>)
      tpu.yield
    }) : () -> ()
    return
  }
}

#map = affine_map<(d0, d1) -> (0, 0)>
module attributes {stable_mosaic.version = 14 : i64} {
  func.func @k(%arg0: i32, %arg1: i32, %arg2: memref<20480x64xf32, #tpu.memory_space<hbm>>, %arg3: memref<2560x128xi32, #tpu.memory_space<hbm>>, %arg4: memref<2560x128xi32, #tpu.memory_space<hbm>>, %arg5: memref<20480x64xf32, #tpu.memory_space<hbm>>, %arg6: memref<160x128xi32, #tpu.memory_space<vmem>>, %arg7: memref<160x128xi32, #tpu.memory_space<vmem>>, %arg8: memref<4x128x64xf32, #tpu.memory_space<vmem>>, %arg9: memref<10240x64xf32, #tpu.memory_space<vmem_shared>>, %arg10: memref<!tpu.dma_semaphore, #tpu.memory_space<semaphore_mem>>, %arg11: memref<!tpu.dma_semaphore, #tpu.memory_space<semaphore_mem>>) attributes {dimension_semantics = [#tpu.dimension_semantics<core_parallel>, #tpu.dimension_semantics<subcore_parallel>], iteration_bounds = array<i64: 2, 16>, scalar_prefetch = 0 : i64, scratch_operands = 6 : i64, tpu.core_type = #tpu.core_type<sc_vector_subcore>, window_params = [{transform_indices = #map}, {transform_indices = #map}, {transform_indices = #map}, {transform_indices = #map}]} {
    %mul3A = arith.constant 10240 : i32
    %mul3A_0 = arith.muli %arg0, %mul3A : i32
    %mul3A_1 = arith.constant 640 : i32
    %mul3A_2 = arith.muli %arg1, %mul3A_1 : i32
    %add3A = arith.addi %mul3A_0, %mul3A_2 : i32
    %mul3A_3 = arith.constant 640 : i32
    %mul3A_4 = arith.muli %arg1, %mul3A_3 : i32
    "tpu.region"() ({
      %run_scoped3A = tpu.sem_alloc : memref<!tpu.dma_semaphore, #tpu.memory_space<semaphore_mem>>
      %dma_start3A_65 = arith.constant 0 : i32
      %dma_start3A_66 = tpu.memref_slice %arg9[%mul3A_4, %dma_start3A_65] : memref<10240x64xf32, #tpu.memory_space<vmem_shared>> -> memref<640x64xf32, #tpu.memory_space<vmem_shared>>
      %dma_start3A_67 = arith.constant 0 : i32
      %dma_start3A_68 = tpu.memref_slice %arg2[%add3A, %dma_start3A_67] : memref<20480x64xf32, #tpu.memory_space<hbm>> -> memref<640x64xf32, #tpu.memory_space<hbm>>
      tpu.enqueue_dma source(%dma_start3A_68 : memref<640x64xf32, #tpu.memory_space<hbm>>) target(%dma_start3A_66 : memref<640x64xf32, #tpu.memory_space<vmem_shared>>) target_semaphore(%run_scoped3A : memref<!tpu.dma_semaphore, #tpu.memory_space<semaphore_mem>>)
      %dma_wait3A = arith.constant 0 : i32
      %dma_wait3A_69 = tpu.memref_slice %arg9[%mul3A_4, %dma_wait3A] : memref<10240x64xf32, #tpu.memory_space<vmem_shared>> -> memref<640x64xf32, #tpu.memory_space<vmem_shared>>
      %dma_wait3A_70 = arith.constant 0 : i32
      %dma_wait3A_71 = tpu.memref_slice %arg2[%add3A, %dma_wait3A_70] : memref<20480x64xf32, #tpu.memory_space<hbm>> -> memref<640x64xf32, #tpu.memory_space<hbm>>
      tpu.wait_dma2 semaphore(%run_scoped3A : memref<!tpu.dma_semaphore, #tpu.memory_space<semaphore_mem>>) src(%dma_wait3A_71 : memref<640x64xf32, #tpu.memory_space<hbm>>) dst(%dma_wait3A_69 : memref<640x64xf32, #tpu.memory_space<vmem_shared>>)
      tpu.yield
    }) : () -> ()
    %mul3A_5 = arith.constant 160 : i32
    %mul3A_6 = arith.muli %arg1, %mul3A_5 : i32
    "tpu.region"() ({
      %run_scoped3A = tpu.sem_alloc : memref<!tpu.dma_semaphore, #tpu.memory_space<semaphore_mem>>
      %dma_start3A_65 = arith.constant 0 : i32
      %dma_start3A_66 = tpu.memref_slice %arg3[%mul3A_6, %dma_start3A_65] : memref<2560x128xi32, #tpu.memory_space<hbm>> -> memref<160x128xi32, #tpu.memory_space<hbm>>
      %dma_start3A_67 = arith.constant 0 : i32
      %dma_start3A_68 = tpu.memref_slice %arg3[%mul3A_6, %dma_start3A_67] : memref<2560x128xi32, #tpu.memory_space<hbm>> -> memref<160x128xi32, #tpu.memory_space<hbm>>
      tpu.enqueue_dma source(%dma_start3A_68 : memref<160x128xi32, #tpu.memory_space<hbm>>) target(%arg6 : memref<160x128xi32, #tpu.memory_space<vmem>>) target_semaphore(%run_scoped3A : memref<!tpu.dma_semaphore, #tpu.memory_space<semaphore_mem>>)
      %dma_wait3A = arith.constant 0 : i32
      %dma_wait3A_69 = tpu.memref_slice %arg3[%mul3A_6, %dma_wait3A] : memref<2560x128xi32, #tpu.memory_space<hbm>> -> memref<160x128xi32, #tpu.memory_space<hbm>>
      %dma_wait3A_70 = arith.constant 0 : i32
      %dma_wait3A_71 = tpu.memref_slice %arg3[%mul3A_6, %dma_wait3A_70] : memref<2560x128xi32, #tpu.memory_space<hbm>> -> memref<160x128xi32, #tpu.memory_space<hbm>>
      tpu.wait_dma2 semaphore(%run_scoped3A : memref<!tpu.dma_semaphore, #tpu.memory_space<semaphore_mem>>) src(%dma_wait3A_71 : memref<160x128xi32, #tpu.memory_space<hbm>>) dst(%arg6 : memref<160x128xi32, #tpu.memory_space<vmem>>)
      tpu.yield
    }) : () -> ()
    %mul3A_7 = arith.constant 160 : i32
    %mul3A_8 = arith.muli %arg1, %mul3A_7 : i32
    "tpu.region"() ({
      %run_scoped3A = tpu.sem_alloc : memref<!tpu.dma_semaphore, #tpu.memory_space<semaphore_mem>>
      %dma_start3A_65 = arith.constant 0 : i32
      %dma_start3A_66 = tpu.memref_slice %arg4[%mul3A_8, %dma_start3A_65] : memref<2560x128xi32, #tpu.memory_space<hbm>> -> memref<160x128xi32, #tpu.memory_space<hbm>>
      %dma_start3A_67 = arith.constant 0 : i32
      %dma_start3A_68 = tpu.memref_slice %arg4[%mul3A_8, %dma_start3A_67] : memref<2560x128xi32, #tpu.memory_space<hbm>> -> memref<160x128xi32, #tpu.memory_space<hbm>>
      tpu.enqueue_dma source(%dma_start3A_68 : memref<160x128xi32, #tpu.memory_space<hbm>>) target(%arg7 : memref<160x128xi32, #tpu.memory_space<vmem>>) target_semaphore(%run_scoped3A : memref<!tpu.dma_semaphore, #tpu.memory_space<semaphore_mem>>)
      %dma_wait3A = arith.constant 0 : i32
      %dma_wait3A_69 = tpu.memref_slice %arg4[%mul3A_8, %dma_wait3A] : memref<2560x128xi32, #tpu.memory_space<hbm>> -> memref<160x128xi32, #tpu.memory_space<hbm>>
      %dma_wait3A_70 = arith.constant 0 : i32
      %dma_wait3A_71 = tpu.memref_slice %arg4[%mul3A_8, %dma_wait3A_70] : memref<2560x128xi32, #tpu.memory_space<hbm>> -> memref<160x128xi32, #tpu.memory_space<hbm>>
      tpu.wait_dma2 semaphore(%run_scoped3A : memref<!tpu.dma_semaphore, #tpu.memory_space<semaphore_mem>>) src(%dma_wait3A_71 : memref<160x128xi32, #tpu.memory_space<hbm>>) dst(%arg7 : memref<160x128xi32, #tpu.memory_space<vmem>>)
      tpu.yield
    }) : () -> ()
    %barrier3A = arith.constant 0 : index
    tpu.barrier barrier_id(%barrier3A)
    %mul3A_9 = arith.constant 10240 : i32
    %mul3A_10 = arith.muli %arg0, %mul3A_9 : i32
    %dma_start3A = arith.constant 0 : i32
    %dma_start3A_11 = arith.constant 0 : i32
    %dma_start3A_12 = arith.constant 0 : i32
    %dma_start3A_13 = arith.constant 0 : i32
    %dma_start3A_14 = tpu.memref_slice %arg8[%dma_start3A_11, %dma_start3A_12, %dma_start3A_13] : memref<4x128x64xf32, #tpu.memory_space<vmem>> -> memref<1x128x64xf32, #tpu.memory_space<vmem>>
    %dma_start3A_15 = tpu.memref_squeeze %dma_start3A_14 : memref<1x128x64xf32, #tpu.memory_space<vmem>> -> memref<128x64xf32, #tpu.memory_space<vmem>>
    %dma_start3A_16 = arith.constant 0 : i32
    %dma_start3A_17 = tpu.memref_slice %arg6[%dma_start3A, %dma_start3A_16] : memref<160x128xi32, #tpu.memory_space<vmem>> -> memref<1x128xi32, #tpu.memory_space<vmem>>
    %dma_start3A_18 = tpu.memref_squeeze %dma_start3A_17 : memref<1x128xi32, #tpu.memory_space<vmem>> -> memref<128xi32, #tpu.memory_space<vmem>>
    %dma_start3A_19 = arith.constant 0 : i32
    %dma_start3A_20 = tpu.memref_slice %arg2[%mul3A_10, %dma_start3A_19] : memref<20480x64xf32, #tpu.memory_space<hbm>> -> memref<10240x64xf32, #tpu.memory_space<hbm>>
    %dma_start3A_21 = arith.constant 0 : i32
    %dma_start3A_22 = arith.constant 0 : i32
    %dma_start3A_23 = tpu.memref_slice %dma_start3A_20[%dma_start3A_21, %dma_start3A_22] : memref<10240x64xf32, #tpu.memory_space<hbm>> -> memref<10240x64xf32, #tpu.memory_space<hbm>>
    tpu.enqueue_indirect_dma source(%dma_start3A_23 : memref<10240x64xf32, #tpu.memory_space<hbm>>) target(%dma_start3A_15 : memref<128x64xf32, #tpu.memory_space<vmem>>) offsets(%dma_start3A_18 : memref<128xi32, #tpu.memory_space<vmem>>) semaphore(%arg10 : memref<!tpu.dma_semaphore, #tpu.memory_space<semaphore_mem>>)
    %dma_start3A_24 = arith.constant 1 : i32
    %dma_start3A_25 = arith.constant 1 : i32
    %dma_start3A_26 = arith.constant 0 : i32
    %dma_start3A_27 = arith.constant 0 : i32
    %dma_start3A_28 = tpu.memref_slice %arg8[%dma_start3A_25, %dma_start3A_26, %dma_start3A_27] : memref<4x128x64xf32, #tpu.memory_space<vmem>> -> memref<1x128x64xf32, #tpu.memory_space<vmem>>
    %dma_start3A_29 = tpu.memref_squeeze %dma_start3A_28 : memref<1x128x64xf32, #tpu.memory_space<vmem>> -> memref<128x64xf32, #tpu.memory_space<vmem>>
    %dma_start3A_30 = arith.constant 0 : i32
    %dma_start3A_31 = tpu.memref_slice %arg6[%dma_start3A_24, %dma_start3A_30] : memref<160x128xi32, #tpu.memory_space<vmem>> -> memref<1x128xi32, #tpu.memory_space<vmem>>
    %dma_start3A_32 = tpu.memref_squeeze %dma_start3A_31 : memref<1x128xi32, #tpu.memory_space<vmem>> -> memref<128xi32, #tpu.memory_space<vmem>>
    %dma_start3A_33 = arith.constant 0 : i32
    %dma_start3A_34 = tpu.memref_slice %arg2[%mul3A_10, %dma_start3A_33] : memref<20480x64xf32, #tpu.memory_space<hbm>> -> memref<10240x64xf32, #tpu.memory_space<hbm>>
    %dma_start3A_35 = arith.constant 0 : i32
    %dma_start3A_36 = arith.constant 0 : i32
    %dma_start3A_37 = tpu.memref_slice %dma_start3A_34[%dma_start3A_35, %dma_start3A_36] : memref<10240x64xf32, #tpu.memory_space<hbm>> -> memref<10240x64xf32, #tpu.memory_space<hbm>>
    tpu.enqueue_indirect_dma source(%dma_start3A_37 : memref<10240x64xf32, #tpu.memory_space<hbm>>) target(%dma_start3A_29 : memref<128x64xf32, #tpu.memory_space<vmem>>) offsets(%dma_start3A_32 : memref<128xi32, #tpu.memory_space<vmem>>) semaphore(%arg10 : memref<!tpu.dma_semaphore, #tpu.memory_space<semaphore_mem>>)
    %dma_start3A_38 = arith.constant 2 : i32
    %dma_start3A_39 = arith.constant 2 : i32
    %dma_start3A_40 = arith.constant 0 : i32
    %dma_start3A_41 = arith.constant 0 : i32
    %dma_start3A_42 = tpu.memref_slice %arg8[%dma_start3A_39, %dma_start3A_40, %dma_start3A_41] : memref<4x128x64xf32, #tpu.memory_space<vmem>> -> memref<1x128x64xf32, #tpu.memory_space<vmem>>
    %dma_start3A_43 = tpu.memref_squeeze %dma_start3A_42 : memref<1x128x64xf32, #tpu.memory_space<vmem>> -> memref<128x64xf32, #tpu.memory_space<vmem>>
    %dma_start3A_44 = arith.constant 0 : i32
    %dma_start3A_45 = tpu.memref_slice %arg6[%dma_start3A_38, %dma_start3A_44] : memref<160x128xi32, #tpu.memory_space<vmem>> -> memref<1x128xi32, #tpu.memory_space<vmem>>
    %dma_start3A_46 = tpu.memref_squeeze %dma_start3A_45 : memref<1x128xi32, #tpu.memory_space<vmem>> -> memref<128xi32, #tpu.memory_space<vmem>>
    %dma_start3A_47 = arith.constant 0 : i32
    %dma_start3A_48 = tpu.memref_slice %arg2[%mul3A_10, %dma_start3A_47] : memref<20480x64xf32, #tpu.memory_space<hbm>> -> memref<10240x64xf32, #tpu.memory_space<hbm>>
    %dma_start3A_49 = arith.constant 0 : i32
    %dma_start3A_50 = arith.constant 0 : i32
    %dma_start3A_51 = tpu.memref_slice %dma_start3A_48[%dma_start3A_49, %dma_start3A_50] : memref<10240x64xf32, #tpu.memory_space<hbm>> -> memref<10240x64xf32, #tpu.memory_space<hbm>>
    tpu.enqueue_indirect_dma source(%dma_start3A_51 : memref<10240x64xf32, #tpu.memory_space<hbm>>) target(%dma_start3A_43 : memref<128x64xf32, #tpu.memory_space<vmem>>) offsets(%dma_start3A_46 : memref<128xi32, #tpu.memory_space<vmem>>) semaphore(%arg10 : memref<!tpu.dma_semaphore, #tpu.memory_space<semaphore_mem>>)
    %scan3A = arith.constant 0 : i32
    %scan3A_52 = arith.constant 0 : i32
    %scan3A_53 = arith.constant 160 : i32
    %scan3A_54 = arith.addi %scan3A_52, %scan3A_53 : i32
    %scan3A_55 = arith.constant 1 : i32
    scf.for %scan3A_65 = %scan3A_52 to %scan3A_54 step %scan3A_55  : i32 {
      %rem3A = arith.constant 4 : i32
      %rem3A_66 = arith.remsi %scan3A_65, %rem3A : i32
      %dma_wait3A = arith.constant 0 : i32
      %dma_wait3A_67 = arith.constant 0 : i32
      %dma_wait3A_68 = tpu.memref_slice %arg8[%rem3A_66, %dma_wait3A, %dma_wait3A_67] : memref<4x128x64xf32, #tpu.memory_space<vmem>> -> memref<1x128x64xf32, #tpu.memory_space<vmem>>
      %dma_wait3A_69 = tpu.memref_squeeze %dma_wait3A_68 : memref<1x128x64xf32, #tpu.memory_space<vmem>> -> memref<128x64xf32, #tpu.memory_space<vmem>>
      %dma_wait3A_70 = arith.constant 0 : i32
      %dma_wait3A_71 = tpu.memref_slice %arg6[%scan3A_65, %dma_wait3A_70] : memref<160x128xi32, #tpu.memory_space<vmem>> -> memref<1x128xi32, #tpu.memory_space<vmem>>
      %dma_wait3A_72 = tpu.memref_squeeze %dma_wait3A_71 : memref<1x128xi32, #tpu.memory_space<vmem>> -> memref<128xi32, #tpu.memory_space<vmem>>
      %dma_wait3A_73 = arith.constant 0 : i32
      %dma_wait3A_74 = tpu.memref_slice %arg2[%mul3A_10, %dma_wait3A_73] : memref<20480x64xf32, #tpu.memory_space<hbm>> -> memref<10240x64xf32, #tpu.memory_space<hbm>>
      %dma_wait3A_75 = arith.constant 0 : i32
      %dma_wait3A_76 = arith.constant 0 : i32
      %dma_wait3A_77 = tpu.memref_slice %dma_wait3A_74[%dma_wait3A_75, %dma_wait3A_76] : memref<10240x64xf32, #tpu.memory_space<hbm>> -> memref<10240x64xf32, #tpu.memory_space<hbm>>
      tpu.wait_indirect_dma semaphore(%arg10 : memref<!tpu.dma_semaphore, #tpu.memory_space<semaphore_mem>>) src(%dma_wait3A_77 : memref<10240x64xf32, #tpu.memory_space<hbm>>) dst(%dma_wait3A_69 : memref<128x64xf32, #tpu.memory_space<vmem>>)
      %add3A_78 = arith.constant 4 : i32
      %add3A_79 = arith.addi %scan3A_65, %add3A_78 : i32
      %sub3A = arith.constant 1 : i32
      %sub3A_80 = arith.subi %add3A_79, %sub3A : i32
      %lt3A = arith.constant 160 : i32
      %lt3A_81 = arith.cmpi slt, %sub3A_80, %lt3A : i32
      %convert_element_type3A = arith.extui %lt3A_81 : i1 to i32
      %cond3A = arith.constant 0 : i32
      %cond3A_82 = arith.cmpi ne, %convert_element_type3A, %cond3A : i32
      scf.if %cond3A_82 {
        %add3A_83 = arith.constant 4 : i32
        %add3A_84 = arith.addi %scan3A_65, %add3A_83 : i32
        %sub3A_85 = arith.constant 1 : i32
        %sub3A_86 = arith.subi %add3A_84, %sub3A_85 : i32
        %rem3A_87 = arith.constant 4 : i32
        %rem3A_88 = arith.remsi %sub3A_86, %rem3A_87 : i32
        %dma_start3A_89 = arith.constant 0 : i32
        %dma_start3A_90 = arith.constant 0 : i32
        %dma_start3A_91 = tpu.memref_slice %arg8[%rem3A_88, %dma_start3A_89, %dma_start3A_90] : memref<4x128x64xf32, #tpu.memory_space<vmem>> -> memref<1x128x64xf32, #tpu.memory_space<vmem>>
        %dma_start3A_92 = tpu.memref_squeeze %dma_start3A_91 : memref<1x128x64xf32, #tpu.memory_space<vmem>> -> memref<128x64xf32, #tpu.memory_space<vmem>>
        %dma_start3A_93 = arith.constant 0 : i32
        %dma_start3A_94 = tpu.memref_slice %arg6[%sub3A_86, %dma_start3A_93] : memref<160x128xi32, #tpu.memory_space<vmem>> -> memref<1x128xi32, #tpu.memory_space<vmem>>
        %dma_start3A_95 = tpu.memref_squeeze %dma_start3A_94 : memref<1x128xi32, #tpu.memory_space<vmem>> -> memref<128xi32, #tpu.memory_space<vmem>>
        %dma_start3A_96 = arith.constant 0 : i32
        %dma_start3A_97 = tpu.memref_slice %arg2[%mul3A_10, %dma_start3A_96] : memref<20480x64xf32, #tpu.memory_space<hbm>> -> memref<10240x64xf32, #tpu.memory_space<hbm>>
        %dma_start3A_98 = arith.constant 0 : i32
        %dma_start3A_99 = arith.constant 0 : i32
        %dma_start3A_100 = tpu.memref_slice %dma_start3A_97[%dma_start3A_98, %dma_start3A_99] : memref<10240x64xf32, #tpu.memory_space<hbm>> -> memref<10240x64xf32, #tpu.memory_space<hbm>>
        tpu.enqueue_indirect_dma source(%dma_start3A_100 : memref<10240x64xf32, #tpu.memory_space<hbm>>) target(%dma_start3A_92 : memref<128x64xf32, #tpu.memory_space<vmem>>) offsets(%dma_start3A_95 : memref<128xi32, #tpu.memory_space<vmem>>) semaphore(%arg10 : memref<!tpu.dma_semaphore, #tpu.memory_space<semaphore_mem>>)
      } else {
      }
    }
    %scan3A_56 = arith.constant 160 : i32
    %barrier3A_57 = arith.constant 0 : index
    tpu.barrier barrier_id(%barrier3A_57)
    %mul3A_58 = arith.constant 640 : i32
    %mul3A_59 = arith.muli %arg1, %mul3A_58 : i32
    %mul3A_60 = arith.constant 10240 : i32
    %mul3A_61 = arith.muli %arg0, %mul3A_60 : i32
    %mul3A_62 = arith.constant 640 : i32
    %mul3A_63 = arith.muli %arg1, %mul3A_62 : i32
    %add3A_64 = arith.addi %mul3A_61, %mul3A_63 : i32
    "tpu.region"() ({
      %run_scoped3A = tpu.sem_alloc : memref<!tpu.dma_semaphore, #tpu.memory_space<semaphore_mem>>
      %dma_start3A_65 = arith.constant 0 : i32
      %dma_start3A_66 = tpu.memref_slice %arg5[%add3A_64, %dma_start3A_65] : memref<20480x64xf32, #tpu.memory_space<hbm>> -> memref<640x64xf32, #tpu.memory_space<hbm>>
      %dma_start3A_67 = arith.constant 0 : i32
      %dma_start3A_68 = tpu.memref_slice %arg9[%mul3A_59, %dma_start3A_67] : memref<10240x64xf32, #tpu.memory_space<vmem_shared>> -> memref<640x64xf32, #tpu.memory_space<vmem_shared>>
      tpu.enqueue_dma source(%dma_start3A_68 : memref<640x64xf32, #tpu.memory_space<vmem_shared>>) target(%dma_start3A_66 : memref<640x64xf32, #tpu.memory_space<hbm>>) target_semaphore(%run_scoped3A : memref<!tpu.dma_semaphore, #tpu.memory_space<semaphore_mem>>)
      %dma_wait3A = arith.constant 0 : i32
      %dma_wait3A_69 = tpu.memref_slice %arg5[%add3A_64, %dma_wait3A] : memref<20480x64xf32, #tpu.memory_space<hbm>> -> memref<640x64xf32, #tpu.memory_space<hbm>>
      %dma_wait3A_70 = arith.constant 0 : i32
      %dma_wait3A_71 = tpu.memref_slice %arg9[%mul3A_59, %dma_wait3A_70] : memref<10240x64xf32, #tpu.memory_space<vmem_shared>> -> memref<640x64xf32, #tpu.memory_space<vmem_shared>>
      tpu.wait_dma2 semaphore(%run_scoped3A : memref<!tpu.dma_semaphore, #tpu.memory_space<semaphore_mem>>) src(%dma_wait3A_71 : memref<640x64xf32, #tpu.memory_space<vmem_shared>>) dst(%dma_wait3A_69 : memref<640x64xf32, #tpu.memory_space<hbm>>)
      tpu.yield
    }) : () -> ()
    return
  }
}

module attributes {stable_mosaic.version = 14 : i64} {
  func.func @_mlp_pool_body(%arg0: i32, %arg1: memref<2x1024x64xf32, #tpu.memory_space<vmem>>, %arg2: memref<1x1x1024xi32, #tpu.memory_space<vmem>>, %arg3: memref<128x128xf32, #tpu.memory_space<vmem>>, %arg4: memref<1x128xf32, #tpu.memory_space<vmem>>, %arg5: memref<128x128xf32, #tpu.memory_space<vmem>>, %arg6: memref<1x128xf32, #tpu.memory_space<vmem>>, %arg7: memref<2x1024x64xf32, #tpu.memory_space<vmem>>, %arg8: memref<64x128xf32, #tpu.memory_space<vmem>>) attributes {dimension_semantics = [#tpu.dimension_semantics<arbitrary>], iteration_bounds = array<i64: 10>, scalar_prefetch = 0 : i64, scratch_operands = 0 : i64, tpu.core_type = #tpu.core_type<tc>, window_params = [{transform_indices = @transform_0, window_bounds = array<i64: 2, 1024, 64>}, {transform_indices = @transform_1, window_bounds = array<i64: 1, 1, 1024>}, {pipeline_mode = #tpu.pipeline_mode<synchronous>, transform_indices = @transform_2, window_bounds = array<i64: 128, 128>}, {pipeline_mode = #tpu.pipeline_mode<synchronous>, transform_indices = @transform_3, window_bounds = array<i64: 1, 128>}, {pipeline_mode = #tpu.pipeline_mode<synchronous>, transform_indices = @transform_4, window_bounds = array<i64: 128, 128>}, {pipeline_mode = #tpu.pipeline_mode<synchronous>, transform_indices = @transform_5, window_bounds = array<i64: 1, 128>}, {transform_indices = @transform_6, window_bounds = array<i64: 2, 1024, 64>}, {pipeline_mode = #tpu.pipeline_mode<synchronous>, transform_indices = @transform_7, window_bounds = array<i64: 64, 128>}]} {
    %get3A = arith.constant 0 : index
    %get3A_0 = arith.constant 0 : index
    %get3A_1 = arith.constant 0 : index
    %get3A_2 = vector.load %arg1[%get3A, %get3A_0, %get3A_1] : memref<2x1024x64xf32, #tpu.memory_space<vmem>>, vector<1x1024x64xf32>
    %get3A_3 = vector.shape_cast %get3A_2 : vector<1x1024x64xf32> to vector<1024x64xf32>
    %get3A_4 = arith.constant 1 : index
    %get3A_5 = arith.constant 0 : index
    %get3A_6 = arith.constant 0 : index
    %get3A_7 = vector.load %arg1[%get3A_4, %get3A_5, %get3A_6] : memref<2x1024x64xf32, #tpu.memory_space<vmem>>, vector<1x1024x64xf32>
    %get3A_8 = vector.shape_cast %get3A_7 : vector<1x1024x64xf32> to vector<1024x64xf32>
    %concatenate3A = tpu.concatenate %get3A_3, %get3A_8 in 1 : vector<1024x64xf32>, vector<1024x64xf32> -> vector<1024x128xf32>
    %get3A_9 = arith.constant 0 : index
    %get3A_10 = arith.constant 0 : index
    %get3A_11 = vector.load %arg3[%get3A_9, %get3A_10] : memref<128x128xf32, #tpu.memory_space<vmem>>, vector<128x128xf32>
    %dot_general3A = arith.constant dense<0.000000e+00> : vector<1024x128xf32>
    %dot_general3A_12 = tpu.matmul %concatenate3A, %get3A_11, %dot_general3A {dimension_numbers = #tpu.dot_dimension_numbers<[1], [0], [0], [1], [0, 0, 1, 1], [], []>, precision = #tpu.contract_precision<fp32>, transpose_lhs_hint = false} : vector<1024x128xf32>, vector<128x128xf32>, vector<1024x128xf32> -> vector<1024x128xf32>
    %get3A_13 = arith.constant 0 : index
    %get3A_14 = arith.constant 0 : index
    %get3A_15 = vector.load %arg4[%get3A_13, %get3A_14] : memref<1x128xf32, #tpu.memory_space<vmem>>, vector<1x128xf32>
    %add3A = vector.broadcast %get3A_15 : vector<1x128xf32> to vector<1024x128xf32>
    %add3A_16 = arith.addf %dot_general3A_12, %add3A : vector<1024x128xf32>
    %max3A = arith.constant 0.000000e+00 : f32
    %max3A_17 = vector.broadcast %max3A : f32 to vector<1024x128xf32>
    %max3A_18 = arith.maximumf %add3A_16, %max3A_17 : vector<1024x128xf32>
    %get3A_19 = arith.constant 0 : index
    %get3A_20 = arith.constant 0 : index
    %get3A_21 = vector.load %arg5[%get3A_19, %get3A_20] : memref<128x128xf32, #tpu.memory_space<vmem>>, vector<128x128xf32>
    %dot_general3A_22 = arith.constant dense<0.000000e+00> : vector<1024x128xf32>
    %dot_general3A_23 = tpu.matmul %max3A_18, %get3A_21, %dot_general3A_22 {dimension_numbers = #tpu.dot_dimension_numbers<[1], [0], [0], [1], [0, 0, 1, 1], [], []>, precision = #tpu.contract_precision<fp32>, transpose_lhs_hint = false} : vector<1024x128xf32>, vector<128x128xf32>, vector<1024x128xf32> -> vector<1024x128xf32>
    %get3A_24 = arith.constant 0 : index
    %get3A_25 = arith.constant 0 : index
    %get3A_26 = vector.load %arg6[%get3A_24, %get3A_25] : memref<1x128xf32, #tpu.memory_space<vmem>>, vector<1x128xf32>
    %add3A_27 = vector.broadcast %get3A_26 : vector<1x128xf32> to vector<1024x128xf32>
    %add3A_28 = arith.addf %dot_general3A_23, %add3A_27 : vector<1024x128xf32>
    %max3A_29 = arith.constant 0.000000e+00 : f32
    %max3A_30 = vector.broadcast %max3A_29 : f32 to vector<1024x128xf32>
    %max3A_31 = arith.maximumf %add3A_28, %max3A_30 : vector<1024x128xf32>
    %slice3A = vector.extract_strided_slice %max3A_31 {offsets = [0, 0], sizes = [1024, 64], strides = [1, 1]} : vector<1024x128xf32> to vector<1024x64xf32>
    %swap3A = arith.constant 0 : index
    %swap3A_32 = arith.constant 0 : index
    %swap3A_33 = arith.constant 0 : index
    %swap3A_34 = vector.load %arg7[%swap3A, %swap3A_32, %swap3A_33] : memref<2x1024x64xf32, #tpu.memory_space<vmem>>, vector<1x1024x64xf32>
    %swap3A_35 = vector.shape_cast %swap3A_34 : vector<1x1024x64xf32> to vector<1024x64xf32>
    %swap3A_36 = vector.shape_cast %slice3A : vector<1024x64xf32> to vector<1x1024x64xf32>
    tpu.vector_store %arg7[%swap3A, %swap3A_32, %swap3A_33], %swap3A_36 {strides = array<i32>} : memref<2x1024x64xf32, #tpu.memory_space<vmem>>, vector<1x1024x64xf32>,
    %slice3A_37 = vector.extract_strided_slice %max3A_31 {offsets = [0, 64], sizes = [1024, 64], strides = [1, 1]} : vector<1024x128xf32> to vector<1024x64xf32>
    %swap3A_38 = arith.constant 1 : index
    %swap3A_39 = arith.constant 0 : index
    %swap3A_40 = arith.constant 0 : index
    %swap3A_41 = vector.load %arg7[%swap3A_38, %swap3A_39, %swap3A_40] : memref<2x1024x64xf32, #tpu.memory_space<vmem>>, vector<1x1024x64xf32>
    %swap3A_42 = vector.shape_cast %swap3A_41 : vector<1x1024x64xf32> to vector<1024x64xf32>
    %swap3A_43 = vector.shape_cast %slice3A_37 : vector<1024x64xf32> to vector<1x1024x64xf32>
    tpu.vector_store %arg7[%swap3A_38, %swap3A_39, %swap3A_40], %swap3A_43 {strides = array<i32>} : memref<2x1024x64xf32, #tpu.memory_space<vmem>>, vector<1x1024x64xf32>,
    %get3A_44 = arith.constant 0 : index
    %get3A_45 = arith.constant 0 : index
    %get3A_46 = arith.constant 0 : index
    %get3A_47 = vector.load %arg2[%get3A_44, %get3A_45, %get3A_46] : memref<1x1x1024xi32, #tpu.memory_space<vmem>>, vector<1x1x1024xi32>
    %get3A_48 = vector.shape_cast %get3A_47 : vector<1x1x1024xi32> to vector<1024xi32>
    %broadcast_in_dim3A = vector.shape_cast %get3A_48 : vector<1024xi32> to vector<1x1024xi32>
    %iota3A = tpu.iota {dimensions = array<i32: 0>} : vector<64x1024xi32>
    %eq3A = vector.broadcast %broadcast_in_dim3A : vector<1x1024xi32> to vector<64x1024xi32>
    %eq3A_49 = arith.cmpi eq, %eq3A, %iota3A : vector<64x1024xi32>
    %convert_element_type3A = arith.extui %eq3A_49 : vector<64x1024xi1> to vector<64x1024xi32>
    %convert_element_type3A_50 = arith.sitofp %convert_element_type3A : vector<64x1024xi32> to vector<64x1024xf32>
    %dot_general3A_51 = arith.constant dense<0.000000e+00> : vector<64x128xf32>
    %dot_general3A_52 = tpu.matmul %convert_element_type3A_50, %max3A_31, %dot_general3A_51 {dimension_numbers = #tpu.dot_dimension_numbers<[1], [0], [0], [1], [0, 0, 1, 1], [], []>, precision = #tpu.contract_precision<fp32>, transpose_lhs_hint = false} : vector<64x1024xf32>, vector<1024x128xf32>, vector<64x128xf32> -> vector<64x128xf32>
    %eq3A_53 = arith.constant 0 : i32
    %eq3A_54 = arith.cmpi eq, %arg0, %eq3A_53 : i32
    %convert_element_type3A_55 = arith.extui %eq3A_54 : i1 to i32
    %cond3A = arith.constant 0 : i32
    %cond3A_56 = arith.cmpi ne, %convert_element_type3A_55, %cond3A : i32
    scf.if %cond3A_56 {
      %broadcast_in_dim3A_64 = arith.constant 0.000000e+00 : f32
      %broadcast_in_dim3A_65 = vector.broadcast %broadcast_in_dim3A_64 : f32 to vector<64x128xf32>
      %swap3A_66 = arith.constant 0 : index
      %swap3A_67 = arith.constant 0 : index
      %swap3A_68 = vector.load %arg8[%swap3A_66, %swap3A_67] : memref<64x128xf32, #tpu.memory_space<vmem>>, vector<64x128xf32>
      tpu.vector_store %arg8[%swap3A_66, %swap3A_67], %broadcast_in_dim3A_65 {strides = array<i32>} : memref<64x128xf32, #tpu.memory_space<vmem>>, vector<64x128xf32>,
    } else {
    }
    %get3A_57 = arith.constant 0 : index
    %get3A_58 = arith.constant 0 : index
    %get3A_59 = vector.load %arg8[%get3A_57, %get3A_58] : memref<64x128xf32, #tpu.memory_space<vmem>>, vector<64x128xf32>
    %add3A_60 = arith.addf %get3A_59, %dot_general3A_52 : vector<64x128xf32>
    %swap3A_61 = arith.constant 0 : index
    %swap3A_62 = arith.constant 0 : index
    %swap3A_63 = vector.load %arg8[%swap3A_61, %swap3A_62] : memref<64x128xf32, #tpu.memory_space<vmem>>, vector<64x128xf32>
    tpu.vector_store %arg8[%swap3A_61, %swap3A_62], %add3A_60 {strides = array<i32>} : memref<64x128xf32, #tpu.memory_space<vmem>>, vector<64x128xf32>,
    return
  }
  func.func @transform_0(%arg0: i32) -> (i32, i32, i32) {
    %c0_i32 = arith.constant 0 : i32
    %c0_i32_0 = arith.constant 0 : i32
    %c0_i32_1 = arith.constant 0 : i32
    return %c0_i32, %arg0, %c0_i32_0 : i32, i32, i32
  }
  func.func @transform_1(%arg0: i32) -> (i32, i32, i32) {
    %c0_i32 = arith.constant 0 : i32
    %c0_i32_0 = arith.constant 0 : i32
    %c0_i32_1 = arith.constant 0 : i32
    return %arg0, %c0_i32, %c0_i32_0 : i32, i32, i32
  }
  func.func @transform_2(%arg0: i32) -> (i32, i32) {
    %c0_i32 = arith.constant 0 : i32
    %c0_i32_0 = arith.constant 0 : i32
    %c0_i32_1 = arith.constant 0 : i32
    return %c0_i32, %c0_i32_0 : i32, i32
  }
  func.func @transform_3(%arg0: i32) -> (i32, i32) {
    %c0_i32 = arith.constant 0 : i32
    %c0_i32_0 = arith.constant 0 : i32
    %c0_i32_1 = arith.constant 0 : i32
    return %c0_i32, %c0_i32_0 : i32, i32
  }
  func.func @transform_4(%arg0: i32) -> (i32, i32) {
    %c0_i32 = arith.constant 0 : i32
    %c0_i32_0 = arith.constant 0 : i32
    %c0_i32_1 = arith.constant 0 : i32
    return %c0_i32, %c0_i32_0 : i32, i32
  }
  func.func @transform_5(%arg0: i32) -> (i32, i32) {
    %c0_i32 = arith.constant 0 : i32
    %c0_i32_0 = arith.constant 0 : i32
    %c0_i32_1 = arith.constant 0 : i32
    return %c0_i32, %c0_i32_0 : i32, i32
  }
  func.func @transform_6(%arg0: i32) -> (i32, i32, i32) {
    %c0_i32 = arith.constant 0 : i32
    %c0_i32_0 = arith.constant 0 : i32
    %c0_i32_1 = arith.constant 0 : i32
    return %c0_i32, %arg0, %c0_i32_0 : i32, i32, i32
  }
  func.func @transform_7(%arg0: i32) -> (i32, i32) {
    %c0_i32 = arith.constant 0 : i32
    %c0_i32_0 = arith.constant 0 : i32
    %c0_i32_1 = arith.constant 0 : i32
    return %c0_i32, %c0_i32_0 : i32, i32
  }
}

module attributes {stable_mosaic.version = 14 : i64} {
  func.func @_mlp_pool_body(%arg0: i32, %arg1: memref<2x1024x64xf32, #tpu.memory_space<vmem>>, %arg2: memref<1x1x1024xi32, #tpu.memory_space<vmem>>, %arg3: memref<128x128xf32, #tpu.memory_space<vmem>>, %arg4: memref<1x128xf32, #tpu.memory_space<vmem>>, %arg5: memref<128x128xf32, #tpu.memory_space<vmem>>, %arg6: memref<1x128xf32, #tpu.memory_space<vmem>>, %arg7: memref<2x1024x64xf32, #tpu.memory_space<vmem>>, %arg8: memref<64x128xf32, #tpu.memory_space<vmem>>) attributes {dimension_semantics = [#tpu.dimension_semantics<arbitrary>], iteration_bounds = array<i64: 10>, scalar_prefetch = 0 : i64, scratch_operands = 0 : i64, tpu.core_type = #tpu.core_type<tc>, window_params = [{transform_indices = @transform_0, window_bounds = array<i64: 2, 1024, 64>}, {transform_indices = @transform_1, window_bounds = array<i64: 1, 1, 1024>}, {pipeline_mode = #tpu.pipeline_mode<synchronous>, transform_indices = @transform_2, window_bounds = array<i64: 128, 128>}, {pipeline_mode = #tpu.pipeline_mode<synchronous>, transform_indices = @transform_3, window_bounds = array<i64: 1, 128>}, {pipeline_mode = #tpu.pipeline_mode<synchronous>, transform_indices = @transform_4, window_bounds = array<i64: 128, 128>}, {pipeline_mode = #tpu.pipeline_mode<synchronous>, transform_indices = @transform_5, window_bounds = array<i64: 1, 128>}, {transform_indices = @transform_6, window_bounds = array<i64: 2, 1024, 64>}, {pipeline_mode = #tpu.pipeline_mode<synchronous>, transform_indices = @transform_7, window_bounds = array<i64: 64, 128>}]} {
    %get3A = arith.constant 0 : index
    %get3A_0 = arith.constant 0 : index
    %get3A_1 = arith.constant 0 : index
    %get3A_2 = vector.load %arg1[%get3A, %get3A_0, %get3A_1] : memref<2x1024x64xf32, #tpu.memory_space<vmem>>, vector<1x1024x64xf32>
    %get3A_3 = vector.shape_cast %get3A_2 : vector<1x1024x64xf32> to vector<1024x64xf32>
    %get3A_4 = arith.constant 1 : index
    %get3A_5 = arith.constant 0 : index
    %get3A_6 = arith.constant 0 : index
    %get3A_7 = vector.load %arg1[%get3A_4, %get3A_5, %get3A_6] : memref<2x1024x64xf32, #tpu.memory_space<vmem>>, vector<1x1024x64xf32>
    %get3A_8 = vector.shape_cast %get3A_7 : vector<1x1024x64xf32> to vector<1024x64xf32>
    %concatenate3A = tpu.concatenate %get3A_3, %get3A_8 in 1 : vector<1024x64xf32>, vector<1024x64xf32> -> vector<1024x128xf32>
    %get3A_9 = arith.constant 0 : index
    %get3A_10 = arith.constant 0 : index
    %get3A_11 = vector.load %arg3[%get3A_9, %get3A_10] : memref<128x128xf32, #tpu.memory_space<vmem>>, vector<128x128xf32>
    %dot_general3A = arith.constant dense<0.000000e+00> : vector<1024x128xf32>
    %dot_general3A_12 = tpu.matmul %concatenate3A, %get3A_11, %dot_general3A {dimension_numbers = #tpu.dot_dimension_numbers<[1], [0], [0], [1], [0, 0, 1, 1], [], []>, precision = #tpu.contract_precision<fp32>, transpose_lhs_hint = false} : vector<1024x128xf32>, vector<128x128xf32>, vector<1024x128xf32> -> vector<1024x128xf32>
    %get3A_13 = arith.constant 0 : index
    %get3A_14 = arith.constant 0 : index
    %get3A_15 = vector.load %arg4[%get3A_13, %get3A_14] : memref<1x128xf32, #tpu.memory_space<vmem>>, vector<1x128xf32>
    %add3A = vector.broadcast %get3A_15 : vector<1x128xf32> to vector<1024x128xf32>
    %add3A_16 = arith.addf %dot_general3A_12, %add3A : vector<1024x128xf32>
    %max3A = arith.constant 0.000000e+00 : f32
    %max3A_17 = vector.broadcast %max3A : f32 to vector<1024x128xf32>
    %max3A_18 = arith.maximumf %add3A_16, %max3A_17 : vector<1024x128xf32>
    %get3A_19 = arith.constant 0 : index
    %get3A_20 = arith.constant 0 : index
    %get3A_21 = vector.load %arg5[%get3A_19, %get3A_20] : memref<128x128xf32, #tpu.memory_space<vmem>>, vector<128x128xf32>
    %dot_general3A_22 = arith.constant dense<0.000000e+00> : vector<1024x128xf32>
    %dot_general3A_23 = tpu.matmul %max3A_18, %get3A_21, %dot_general3A_22 {dimension_numbers = #tpu.dot_dimension_numbers<[1], [0], [0], [1], [0, 0, 1, 1], [], []>, precision = #tpu.contract_precision<fp32>, transpose_lhs_hint = false} : vector<1024x128xf32>, vector<128x128xf32>, vector<1024x128xf32> -> vector<1024x128xf32>
    %get3A_24 = arith.constant 0 : index
    %get3A_25 = arith.constant 0 : index
    %get3A_26 = vector.load %arg6[%get3A_24, %get3A_25] : memref<1x128xf32, #tpu.memory_space<vmem>>, vector<1x128xf32>
    %add3A_27 = vector.broadcast %get3A_26 : vector<1x128xf32> to vector<1024x128xf32>
    %add3A_28 = arith.addf %dot_general3A_23, %add3A_27 : vector<1024x128xf32>
    %max3A_29 = arith.constant 0.000000e+00 : f32
    %max3A_30 = vector.broadcast %max3A_29 : f32 to vector<1024x128xf32>
    %max3A_31 = arith.maximumf %add3A_28, %max3A_30 : vector<1024x128xf32>
    %slice3A = vector.extract_strided_slice %max3A_31 {offsets = [0, 0], sizes = [1024, 64], strides = [1, 1]} : vector<1024x128xf32> to vector<1024x64xf32>
    %swap3A = arith.constant 0 : index
    %swap3A_32 = arith.constant 0 : index
    %swap3A_33 = arith.constant 0 : index
    %swap3A_34 = vector.load %arg7[%swap3A, %swap3A_32, %swap3A_33] : memref<2x1024x64xf32, #tpu.memory_space<vmem>>, vector<1x1024x64xf32>
    %swap3A_35 = vector.shape_cast %swap3A_34 : vector<1x1024x64xf32> to vector<1024x64xf32>
    %swap3A_36 = vector.shape_cast %slice3A : vector<1024x64xf32> to vector<1x1024x64xf32>
    tpu.vector_store %arg7[%swap3A, %swap3A_32, %swap3A_33], %swap3A_36 {strides = array<i32>} : memref<2x1024x64xf32, #tpu.memory_space<vmem>>, vector<1x1024x64xf32>,
    %slice3A_37 = vector.extract_strided_slice %max3A_31 {offsets = [0, 64], sizes = [1024, 64], strides = [1, 1]} : vector<1024x128xf32> to vector<1024x64xf32>
    %swap3A_38 = arith.constant 1 : index
    %swap3A_39 = arith.constant 0 : index
    %swap3A_40 = arith.constant 0 : index
    %swap3A_41 = vector.load %arg7[%swap3A_38, %swap3A_39, %swap3A_40] : memref<2x1024x64xf32, #tpu.memory_space<vmem>>, vector<1x1024x64xf32>
    %swap3A_42 = vector.shape_cast %swap3A_41 : vector<1x1024x64xf32> to vector<1024x64xf32>
    %swap3A_43 = vector.shape_cast %slice3A_37 : vector<1024x64xf32> to vector<1x1024x64xf32>
    tpu.vector_store %arg7[%swap3A_38, %swap3A_39, %swap3A_40], %swap3A_43 {strides = array<i32>} : memref<2x1024x64xf32, #tpu.memory_space<vmem>>, vector<1x1024x64xf32>,
    %get3A_44 = arith.constant 0 : index
    %get3A_45 = arith.constant 0 : index
    %get3A_46 = arith.constant 0 : index
    %get3A_47 = vector.load %arg2[%get3A_44, %get3A_45, %get3A_46] : memref<1x1x1024xi32, #tpu.memory_space<vmem>>, vector<1x1x1024xi32>
    %get3A_48 = vector.shape_cast %get3A_47 : vector<1x1x1024xi32> to vector<1024xi32>
    %broadcast_in_dim3A = vector.shape_cast %get3A_48 : vector<1024xi32> to vector<1x1024xi32>
    %iota3A = tpu.iota {dimensions = array<i32: 0>} : vector<64x1024xi32>
    %eq3A = vector.broadcast %broadcast_in_dim3A : vector<1x1024xi32> to vector<64x1024xi32>
    %eq3A_49 = arith.cmpi eq, %eq3A, %iota3A : vector<64x1024xi32>
    %convert_element_type3A = arith.extui %eq3A_49 : vector<64x1024xi1> to vector<64x1024xi32>
    %convert_element_type3A_50 = arith.sitofp %convert_element_type3A : vector<64x1024xi32> to vector<64x1024xf32>
    %dot_general3A_51 = arith.constant dense<0.000000e+00> : vector<64x128xf32>
    %dot_general3A_52 = tpu.matmul %convert_element_type3A_50, %max3A_31, %dot_general3A_51 {dimension_numbers = #tpu.dot_dimension_numbers<[1], [0], [0], [1], [0, 0, 1, 1], [], []>, precision = #tpu.contract_precision<fp32>, transpose_lhs_hint = false} : vector<64x1024xf32>, vector<1024x128xf32>, vector<64x128xf32> -> vector<64x128xf32>
    %eq3A_53 = arith.constant 0 : i32
    %eq3A_54 = arith.cmpi eq, %arg0, %eq3A_53 : i32
    %convert_element_type3A_55 = arith.extui %eq3A_54 : i1 to i32
    %cond3A = arith.constant 0 : i32
    %cond3A_56 = arith.cmpi ne, %convert_element_type3A_55, %cond3A : i32
    scf.if %cond3A_56 {
      %broadcast_in_dim3A_64 = arith.constant 0.000000e+00 : f32
      %broadcast_in_dim3A_65 = vector.broadcast %broadcast_in_dim3A_64 : f32 to vector<64x128xf32>
      %swap3A_66 = arith.constant 0 : index
      %swap3A_67 = arith.constant 0 : index
      %swap3A_68 = vector.load %arg8[%swap3A_66, %swap3A_67] : memref<64x128xf32, #tpu.memory_space<vmem>>, vector<64x128xf32>
      tpu.vector_store %arg8[%swap3A_66, %swap3A_67], %broadcast_in_dim3A_65 {strides = array<i32>} : memref<64x128xf32, #tpu.memory_space<vmem>>, vector<64x128xf32>,
    } else {
    }
    %get3A_57 = arith.constant 0 : index
    %get3A_58 = arith.constant 0 : index
    %get3A_59 = vector.load %arg8[%get3A_57, %get3A_58] : memref<64x128xf32, #tpu.memory_space<vmem>>, vector<64x128xf32>
    %add3A_60 = arith.addf %get3A_59, %dot_general3A_52 : vector<64x128xf32>
    %swap3A_61 = arith.constant 0 : index
    %swap3A_62 = arith.constant 0 : index
    %swap3A_63 = vector.load %arg8[%swap3A_61, %swap3A_62] : memref<64x128xf32, #tpu.memory_space<vmem>>, vector<64x128xf32>
    tpu.vector_store %arg8[%swap3A_61, %swap3A_62], %add3A_60 {strides = array<i32>} : memref<64x128xf32, #tpu.memory_space<vmem>>, vector<64x128xf32>,
    return
  }
  func.func @transform_0(%arg0: i32) -> (i32, i32, i32) {
    %c0_i32 = arith.constant 0 : i32
    %c0_i32_0 = arith.constant 0 : i32
    %c0_i32_1 = arith.constant 0 : i32
    return %c0_i32, %arg0, %c0_i32_0 : i32, i32, i32
  }
  func.func @transform_1(%arg0: i32) -> (i32, i32, i32) {
    %c0_i32 = arith.constant 0 : i32
    %c0_i32_0 = arith.constant 0 : i32
    %c0_i32_1 = arith.constant 0 : i32
    return %arg0, %c0_i32, %c0_i32_0 : i32, i32, i32
  }
  func.func @transform_2(%arg0: i32) -> (i32, i32) {
    %c0_i32 = arith.constant 0 : i32
    %c0_i32_0 = arith.constant 0 : i32
    %c0_i32_1 = arith.constant 0 : i32
    return %c0_i32, %c0_i32_0 : i32, i32
  }
  func.func @transform_3(%arg0: i32) -> (i32, i32) {
    %c0_i32 = arith.constant 0 : i32
    %c0_i32_0 = arith.constant 0 : i32
    %c0_i32_1 = arith.constant 0 : i32
    return %c0_i32, %c0_i32_0 : i32, i32
  }
  func.func @transform_4(%arg0: i32) -> (i32, i32) {
    %c0_i32 = arith.constant 0 : i32
    %c0_i32_0 = arith.constant 0 : i32
    %c0_i32_1 = arith.constant 0 : i32
    return %c0_i32, %c0_i32_0 : i32, i32
  }
  func.func @transform_5(%arg0: i32) -> (i32, i32) {
    %c0_i32 = arith.constant 0 : i32
    %c0_i32_0 = arith.constant 0 : i32
    %c0_i32_1 = arith.constant 0 : i32
    return %c0_i32, %c0_i32_0 : i32, i32
  }
  func.func @transform_6(%arg0: i32) -> (i32, i32, i32) {
    %c0_i32 = arith.constant 0 : i32
    %c0_i32_0 = arith.constant 0 : i32
    %c0_i32_1 = arith.constant 0 : i32
    return %c0_i32, %arg0, %c0_i32_0 : i32, i32, i32
  }
  func.func @transform_7(%arg0: i32) -> (i32, i32) {
    %c0_i32 = arith.constant 0 : i32
    %c0_i32_0 = arith.constant 0 : i32
    %c0_i32_1 = arith.constant 0 : i32
    return %c0_i32, %c0_i32_0 : i32, i32
  }
}

</mosaic_0001>

<sc_bundles>
// kernel: kernel.11.cloned.1.call-start
scs
__scs_entry_jumppad:
0x0: {  	(pc) =	sbr.rel $0x88, $3  }
0x1: {  	(tag) =	ssettag $0x0;
	lr =	simm.s32 $0x1  }
0x2: {  	[smem:$0x3F92] =	sst lr;
	_ =	strace $0xD0000000  }
0x3: {  	_ = 	snop  }
0x4: {  	_ = 	snop  }
0x5: {  	_ = 	snop  }
0x6: {  	_ = 	snop  }
0x7: {  	_ = 	snop  }
__scs_overlays_trampoline_lowered:
0x8: {  	[smem:$0x3FA1] =	sst s0  }
0x9: {  	[smem:$0x3FA2] =	sst s1  }
0xa: {  	[smem:$0x3FA3] =	sst s2  }
0xb: {  	[smem:$0x3FA4] =	sst s3  }
0xc: {  	[smem:$0x3FA5] =	sst s4  }
0xd: {  	[smem:$0x3FA6] =	sst s5  }
0xe: {  	[smem:$0x3FA7] =	sst s6  }
0xf: {  	[smem:$0x3FA8] =	sst s7  }
0x10: {  	[smem:$0x3FA9] =	sst s8  }
0x11: {  	[smem:$0x3FAA] =	sst s9;
	s0 =	simm.s32 @!p0 $0x0  }
0x12: {  	s1 =	sld [smem:$0x3F90];
	s0 =	simm.s32 @p0 $0x1  }
0x13: {  	[smem:$0x3FAB] =	sst s0;
	s0 =	simm.s32 @!p1 $0x0  }
0x14: {  	s2 =	sld [smem:$0x3F8F];
	s0 =	simm.s32 @p1 $0x1  }
0x15: {  	[smem:$0x3FAC] =	sst s0;
	s0 =	simm.s32 @!p2 $0x0  }
0x16: {  	s3 =	sld [smem:$0x3FDB];
	s0 =	simm.s32 @p2 $0x1  }
0x17: {  	s4 =	simm.s32 $0x1BF5;
	[smem:$0x3FAE] =	sst s0  }
0x18: {  	s0 =	sld [smem:$0x3F91];
	_ =	swait.ge [sflag:s4], $0x0  }
0x19: {  	s7 =	sld [smem:$0x3F92]  }
0x1a: {  	s8 =	sadd.s32 $0xFFFFE003, lr  }
0x1b: {  	s9 =	sadd.s32 $0xFFFFFEF7, lr;
	s5 =	simm.s32 $0xFFFFFFFF;
	p2 =	slt.u32 s8, $0xFFFFF086  }
0x1c: {  	p1 =	slt.u32 s9, $0xF7A;
	s5 =	simm.s32 @!p2 $0x0  }
0x1d: {  	s5 =	simm.s32 @p1 $0x1;
	p0 =	seq.s32 s7, s2  }
0x1e: {  	s7 =	smul.u32 @!p0 $0xF7A, s2;
	p2 =	seq.s32 @!p0 s5, $0x0  }
0x1f: {  	s9 =	smul.u32 $0xF7A, s1;
	s8 =	simm.s32 @!p0 $0x1BF5;
	p2 =	por !p2, p0  }
0x20: {  	[sflag:s8] =	ssyncset.s32 @!p0 $0xFFFFF086;
	s6 =	sadd.s32 @!p0 s3, s7;
	s7 =	simm.s32 @!p0 $0x108  }
0x21: {  	s3 =	sadd.s32 s3, s9;
	s6 =	sadd.s32 @!p0 $0x88, s6;
	s7 =	simm.s32 @p2 $0x1082  }
0x22: {  	[simem:s7], [sflag:s8] =	dma.local @!p0 [hbm:s6], $0xF7A  }
0x23: {  	s9 =	sor.u32 $0xD0000000, s2;
	s6 =	simm.s32 $0x108;
	_ =	swait.ge @!p0 [sflag:s8], $0x0  }
0x24: {  	s3 =	sadd.s32 $0x88, s3;
	s6 =	simm.s32 @!p1 $0x1082;
	[sflag:s4] =	ssyncset.s32 $0xFFFFF086  }
0x25: {  	[simem:s6], [sflag:s4] =	dma.local [hbm:s3], $0xF7A  }
0x26: {  	[smem:$0x3F92] =	sst s1;
	(tag) =	ssettag s2;
	_ =	strace s9  }
0x27: {  	s1 =	sld [smem:$0x3FA2]  }
0x28: {  	s2 =	sld [smem:$0x3FA3]  }
0x29: {  	s4 =	sld [smem:$0x3FA5]  }
0x2a: {  	p0 =	seq.s32 s5, $0x0;
	s5 =	sld [smem:$0x3FA6]  }
0x2b: {  	s6 =	sld [smem:$0x3FA7]  }
0x2c: {  	s7 =	sld [smem:$0x3FA8]  }
0x2d: {  	s3 =	simm.s32 $0x108;
	s8 =	sld [smem:$0x3FA9]  }
0x2e: {  	s3 =	simm.s32 @!p0 $0x1082;
	s9 =	sld [smem:$0x3FAA]  }
0x2f: {  	lr =	sadd.s32 s0, s3;
	s0 =	sld [smem:$0x3FA1]  }
0x30: {  	s3 =	sld [smem:$0x3FA4]  }
0x31: {  	[smem:$0x3FAD] =	sst s10  }
0x32: {  	s10 =	sld [smem:$0x3FAB];
	_ =	sdelay $0x3  }
0x33: {  	p0 =	seq.s32 s10, $0x1;
	s10 =	sld [smem:$0x3FAD];
	_ =	sdelay $0x3  }
0x34: {  	[smem:$0x3FAD] =	sst s10  }
0x35: {  	s10 =	sld [smem:$0x3FAC];
	_ =	sdelay $0x3  }
0x36: {  	p1 =	seq.s32 s10, $0x1;
	s10 =	sld [smem:$0x3FAD];
	_ =	sdelay $0x3  }
0x37: {  	[smem:$0x3FAD] =	sst s10  }
0x38: {  	s10 =	sld [smem:$0x3FAE]  }
0x39: {  	_ = 	snop;
	(pc) =	sbr.ind lr, $3  }
0x3a: {  	_ = 	snop  }
0x3b: {  	_ = 	snop  }
0x3c: {  	p2 =	seq.s32 s10, $0x1;
	s10 =	sld [smem:$0x3FAD]  }
0x3d: {  	_ =	shalt  }
0x3e: {  	_ =	shalt  }
0x3f: {  	_ =	shalt  }
0x40: {  	_ =	shalt  }
0x41: {  	_ =	shalt  }
0x42: {  	_ =	shalt  }
0x43: {  	_ =	shalt  }
0x44: {  	_ =	shalt  }
0x45: {  	_ =	shalt  }
0x46: {  	_ =	shalt  }
0x47: {  	_ =	shalt  }
0x48: {  	_ =	shalt  }
0x49: {  	_ =	shalt  }
0x4a: {  	_ =	shalt  }
0x4b: {  	_ =	shalt  }
0x4c: {  	_ =	shalt  }
0x4d: {  	_ =	shalt  }
0x4e: {  	_ =	shalt  }
0x4f: {  	_ =	shalt  }
0x50: {  	_ =	shalt  }
0x51: {  	_ =	shalt  }
0x52: {  	_ =	shalt  }
0x53: {  	_ =	shalt  }
0x54: {  	_ =	shalt  }
0x55: {  	_ =	shalt  }
0x56: {  	_ =	shalt  }
0x57: {  	_ =	shalt  }
0x58: {  	_ =	shalt  }
0x59: {  	_ =	shalt  }
0x5a: {  	_ =	shalt  }
0x5b: {  	_ =	shalt  }
0x5c: {  	_ =	shalt  }
0x5d: {  	_ =	shalt  }
0x5e: {  	_ =	shalt  }
0x5f: {  	_ =	shalt  }
0x60: {  	_ =	shalt  }
0x61: {  	_ =	shalt  }
0x62: {  	_ =	shalt  }
0x63: {  	_ =	shalt  }
0x64: {  	_ =	shalt  }
0x65: {  	_ =	shalt  }
0x66: {  	_ =	shalt  }
0x67: {  	_ =	shalt  }
0x68: {  	_ =	shalt  }
0x69: {  	_ =	shalt  }
0x6a: {  	_ =	shalt  }
0x6b: {  	_ =	shalt  }
0x6c: {  	_ =	shalt  }
0x6d: {  	_ =	shalt  }
0x6e: {  	_ =	shalt  }
0x6f: {  	_ =	shalt  }
0x70: {  	_ =	shalt  }
0x71: {  	_ =	shalt  }
0x72: {  	_ =	shalt  }
0x73: {  	_ =	shalt  }
0x74: {  	_ =	shalt  }
0x75: {  	_ =	shalt  }
0x76: {  	_ =	shalt  }
0x77: {  	_ =	shalt  }
0x78: {  	_ =	shalt  }
0x79: {  	_ =	shalt  }
0x7a: {  	_ =	shalt  }
0x7b: {  	_ =	shalt  }
0x7c: {  	_ =	shalt  }
0x7d: {  	_ =	shalt  }
0x7e: {  	_ =	shalt  }
0x7f: {  	_ =	shalt  }
0x80: {  	_ =	shalt  }
0x81: {  	_ =	shalt  }
0x82: {  	_ =	shalt  }
0x83: {  	_ =	shalt  }
0x84: {  	_ =	shalt  }
0x85: {  	_ =	shalt  }
0x86: {  	_ =	shalt  }
0x87: {  	_ =	shalt  }
.Lfunc_end0:
.L_simem_size_0:
called_computation.1_lowered:
.L_overlay_start_0:
0x88: {  	s2 =	sld [smem:$0x3FD9]  }
0x89: {  	s3 =	sld [smem:$0x3FFE];
	_ =	sdelay $0x1  }
0x8a: {  	s1 =	srdreg.scid  }
0x8b: {  	s0 =	sand.u32 $0x1, s1  }
0x8c: {  	s16 =	sshll.u32 s0, $0xA;
	s2 =	sadd.s32 s3, s2  }
0x8d: {  	s2 =	sadd.s32 s2, s16  }
0x8e: {  	[smem:$0x3FB9] =	sst s2  }
0x8f: {  	_ = 	snop  }
0x90: {  	(tm) =	ssettm $0x1  }
0x91: {  	s17 =	sld [smem:$0x3FFB];
	_ =	sdelay $0x3  }
0x92: {  	_ =	strace s17  }
0x93: {  	s2 =	sld [smem:$0x3FFC];
	_ =	sdelay $0x3  }
0x94: {  	_ =	strace s2  }
0x95: {  	s2 =	sld [smem:$0x3FFD];
	_ =	sdelay $0x3  }
0x96: {  	_ =	strace s2  }
0x97: {  	_ =	strace $0x8FFFFFFF  }
0x98: {  	s18 =	sld [smem:$0x3FDB];
	_ =	sdelay $0x1  }
0x99: {  	s19 =	simm.s32 $_scs_section_size  }
0x9a: {  	s4 =	simm.s32 $_size__tile_overlayer_lowered;
	s5 =	simm.s32 $_tile_overlayer_lowered  }
0x9b: {  	s22 =	simm.s32 $0x1BFF;
	s21 =	sshll.u32 s5, $0x1;
	s2 =	sadd.s32 s19, s18  }
0x9c: {  	s6 =	simm.s32 $0x0;
	s20 =	sshll.u32 s4, $0x1;
	s4 =	sadd.s32 s21, s2  }
0x9d: {  	[timem:s6], [sflag:s22] =	dma.local [hbm:s4], s20  }
0x9e: {  	_ =	swait.ge [sflag:s22], s20  }
0x9f: {  	s3 =	ssub.s32 $0x0, s20;
	[sflag:s22] =	ssyncset.done $0x0  }
0xa0: {  	[sflag:s22] =	ssyncadd.s32 s3;
	_ =	sdelay $0x1  }
0xa1: {  	s23 =	simm.s32 $0x1B8B  }
0xa2: {  	_ =	swait.ge [sflag:s23], $0x1  }
0xa3: {  	[sflag:s23] =	ssyncset.done $0x0  }
0xa4: {  	s25 =	simm.s32 $0x1B8E;
	s24 =	sld [smem:$0x3FFE];
	[sflag:s23] =	ssyncadd.s32 $0xFFFFFFFF  }
0xa5: {  	s26 =	simm.s32 $execute0_lowered;
	[smem:$0x3FD2] =	sst s25  }
0xa6: {  	s4 =	sshll.u32 s26, $0x1;
	_ =	strace $0x80000049;
	[dreg:$0x1] =	wrdreg $0xFFFFFFFF  }
0xa7: {  	s28 =	simm.s32 $_size_execute0_lowered;
	s2 =	sadd.s32 s2, s4;
	[dreg:$0x0] =	wrdreg $0x0  }
0xa8: {  	s4 =	sshll.u32 s28, $0x1;
	[dreg:$0x2] =	wrdreg s2  }
0xa9: {  	[dreg:$0x3] =	wrdreg s4  }
0xaa: {  	[dreg:$0x4] =	wrdreg $0xC0  }
0xab: {  	_ =	task [dreg:s6], $0x5FFFF  }
0xac: {  	[dreg:$0x1] =	wrdreg $0xFFFFFFFF  }
0xad: {  	[dreg:$0x0] =	wrdreg $0x60  }
0xae: {  	[dreg:$0x2] =	wrdreg s24  }
0xaf: {  	[dreg:$0x3] =	wrdreg $0x120000  }
0xb0: {  	[dreg:$0x4] =	wrdreg $0x9  }
0xb1: {  	_ =	task.clear_ibuf [dreg:s6], $0x5FFFF;
	_ =	strace $0x90000049  }
0xb2: {  	s29 =	simm.s32 $0x9;
	_ =	strace $0x8000004B  }
0xb3: {  	_ =	swait.ge [sflag:s29], $0x1  }
0xb4: {  	[sflag:s29] =	ssyncadd.s32 $0xFFFFFFFF  }
0xb5: {  	_ =	strace $0x9000004B  }
0xb6: {  	_ =	sfence  }
0xb7: {  	s30 =	sld [smem:$0x0];
	_ =	sdelay $0x2  }
0xb8: {  	s31 =	sshll.u32 s1, $0xD;
	s1 =	sshrl.u32 s1, $0x2  }
0xb9: {  	s3 =	sand.u32 $0x4000, s31;
	s1 =	sadd.s32 s1, s30  }
0xba: {  	s0 =	sor.u32 s3, s0;
	s1 =	sshll.u32 s1, $0x11  }
0xbb: {  	s0 =	sor.u32 s1, s0  }
0xbc: {  	s0 =	sadd.s32 $0x8F2B, s0  }
0xbd: {  	[sflag:s0] =	ssyncadd.remote.s32 $0x1  }
0xbe: {  	_ =	sfence.sel $0xFFFF  }
0xbf: {  	[dreg:$0x0] =	wrdreg $0xFFFFFFFF;
	(pc) =	sbr.abs _section_cstart, $3  }
0xc0: {  	[dreg:$0x1] =	wrdreg $0xFFFFFFFF  }
0xc1: {  	_ =	task.clear_ibuf [dreg:s6], $0x2FFFF;
	_ =	strace $0x9FFFFFFF  }
0xc2: {  	(tm) =	ssettm $0x7FFFFFFF  }
0xc3: {  	_ =	shalt  }
tec
execute0_lowered:
.L_overlay_start_1:
0x0: {  	(tag) =	ssettag $0x1  }
0x1: {  	s3 =	rddreg [dreg:$0x0]  }
0x2: {  	s4 =	rddreg [dreg:$0x1];
	s1 =	srdreg.scid  }
0x3: {  	s0 =	rddreg [dreg:$0x2];
	s2 =	simm.s32 $0x0;
	s14 =	simm.s32 $0xA000  }
0x4: {  	s15 =	simm.s32 $0xC000;
	s16 =	simm.s32 $0x100;
	s5 =	sand.u32 $0x1, s1  }
0x5: {  	s17 =	simm.s32 $0xE000;
	s1 =	stileid.u32;
	s6 =	smul.u32 $0x2800, s5  }
0x6: {  	s18 =	simm.s32 $0x1;
	s19 =	simm.s32 $0x0;
	s7 =	smul.u32 $0x280, s1  }
0x7: {  	[smem:$0x7FF] =	sst s2;
	s8 =	sadd.s32 $0x2A00, s3;
	s9 =	smul.u32 $0xA00, s1  }
0x8: {  	_ =	strace $0x8000004A;
	s28 =	ssub.s32 $0x2, s5;
	s11 =	smul.u32 $0x28000, s1  }
0x9: {  	s30 =	sshll.u32 s1, $0x6;
	s31 =	smul.u32 $0x14000, s5;
	s10 =	sshrl.u32 s28, $0x1  }
0xa: {  	s6 =	sadd.s32 s7, s6;
	s9 =	sadd.s32 s9, s3;
	s10 =	ssub.s32 s28, s10  }
0xb: {  	s29 =	sshrl.u32 s11, $0x2;
	s7 =	sadd.s32 s8, s31;
	s11 =	simm.s32 $0x2  }
0xc: {  	s6 =	sshll.u32 s6, $0x3;
	s13 =	sadd.s32 s29, s4;
	s4 =	sor.u32 $0x1C02, s30  }
0xd: {  	s5 =	sadd.s32 $0x2AA00, s9;
	s12 =	sadd.s32 s6, s3;
	s3 =	sadd.s32 s8, s6  }
0xe: {  	s6 =	sadd.s32 $0x34A00, s9;
	s9 =	smax.u32 s10, $0x1;
	s10 =	sshrl.u32 s13, $0x3  }
0xf: {  	s13 =	simm.s32 $0x80;
	s8 =	sadd.s32 $0x3EA00, s12;
	s12 =	simm.s32 $0x5000  }
.LBB2_1:
0x10: {  	[spmem:s10], [sflag:s4] =	dma.local [hbm:s3], $0x1400  }
0x11: {  	_ =	swait.ge [sflag:s11], $0x1400  }
0x12: {  	[sflag:s11] =	ssyncset.done $0x0  }
0x13: {  	[sflag:s11] =	ssyncadd.s32 $0xFFFFEC00  }
0x14: {  	[tilespmem:s2], [sflag:$0x2] =	stream.linear.gather [hbm4b:s5+s2], $0x5000, $0x38;
	[tilespmem:$0x1C000] =	vst v63  }
0x15: {  	_ =	swait.ge [sflag:s11], $0x5000  }
0x16: {  	[sflag:s11] =	ssyncset.done $0x0  }
0x17: {  	[sflag:s11] =	ssyncadd.s32 $0xFFFFB000  }
0x18: {  	[tilespmem:s12], [sflag:$0x2] =	stream.linear.gather [hbm4b:s6+s2], $0x5000, $0x38;
	[tilespmem:$0x1C000] =	vst v63  }
0x19: {  	_ =	swait.ge [sflag:s11], $0x5000  }
0x1a: {  	[sflag:s11] =	ssyncset.done $0x0  }
0x1b: {  	[sflag:s11] =	ssyncadd.s32 $0xFFFFB000  }
0x1c: {  	[bflag:$0x0] =	sbarrier.arrive $0xFFFF  }
0x1d: {  	[tilespmem:s14], [sflag:$0x1] =	stream.indirect.gather [hbm4b:s7+s13], $0x40, s2, s13, $0xb8;
	[tilespmem:$0x1C000] =	vst v63  }
0x1e: {  	s21 =	simm.s32 $0x18000  }
0x1f: {  	[tilespmem:s15], [sflag:$0x1] =	stream.indirect.gather [hbm4b:s7+s13], $0x40, s13, s13, $0xb8;
	[tilespmem:$0x1C000] =	vst v63  }
0x20: {  	s22 =	simm.s32 $0x180;
	s20 =	simm.s32 $0x20000;
	p0 =	por $0x0, $0x0  }
0x21: {  	[tilespmem:s17], [sflag:$0x1] =	stream.indirect.gather [hbm4b:s7+s13], $0x40, s16, s13, $0xb8;
	[tilespmem:$0x1C000] =	vst v63  }
0x22: {  	s23 =	sand.u32 @!p0 $0x18000, s21;
	s21 =	simm.s32 $0x200;
	_ =	swait.ge [sflag:s18], $0x2000  }
0x23: {  	s25 =	simm.s32 @!p0 $0x80;
	s24 =	sshrl.u32 @!p0 s23, $0x2;
	[sflag:s18] =	ssyncset.done $0x0  }
0x24: {  	s23 =	simm.s32 $0x1;
	s24 =	sadd.s32 @!p0 $0xA000, s24;
	[sflag:s18] =	ssyncadd.s32 $0xFFFFE000  }
.LBB2_2:
0x25: {  	[tilespmem:s24], [sflag:$0x1] =	stream.indirect.gather @!p0 [hbm4b:s7+s25], $0x40, s22, s25, $0xb8;
	[tilespmem:$0x1C000] =	vst v63  }
0x26: {  	s24 =	smov.u32 s20;
	s20 =	sadd.s32 $0x8000, s20  }
0x27: {  	p1 =	sne.s32 s20, $0x518000  }
.Ltmp0:
0x28: {  	(pc) =	sbr.rel @p1 .LBB2_2-.Ltmp0, $4  }
0x29: {  	p0 =	sgt.u32 s23, $0x9C;
	s22 =	smov.u32 s21  }
0x2a: {  	s21 =	sadd.s32 $0x80, s21;
	s24 =	sand.u32 @!p0 $0x18000, s24;
	_ =	swait.ge [sflag:s18], $0x2000  }
0x2b: {  	s23 =	sadd.s32 $0x1, s23;
	s24 =	sshrl.u32 @!p0 s24, $0x2;
	[sflag:s18] =	ssyncset.done $0x0  }
0x2c: {  	s25 =	simm.s32 @!p0 $0x80;
	s24 =	sadd.s32 @!p0 $0xA000, s24;
	[sflag:s18] =	ssyncadd.s32 $0xFFFFE000  }
0x2d: {  	[tilespmem:s24], [sflag:$0x1] =	stream.indirect.gather @!p0 [hbm4b:s7+s25], $0x40, s22, s25, $0xb8;
	[tilespmem:$0x1C000] =	vst v63  }
0x2e: {  	s19 =	sadd.s32 $0x1, s19  }
0x2f: {  	p0 =	sne.s32 s19, s9  }
.Ltmp1:
0x30: {  	[bflag:$0x0] =	sbarrier.arrive $0xFFFF;
	(pc) =	sbr.rel @p0 .LBB2_1-.Ltmp1, $4  }
0x31: {  	[hbm:s8], [sflag:s4] =	dma.local [spmem:s10], $0x1400  }
0x32: {  	_ =	swait.ge [sflag:s11], $0x1400  }
0x33: {  	[sflag:s11] =	ssyncset.done $0x0  }
0x34: {  	[sflag:s11] =	ssyncadd.s32 $0xFFFFEC00  }
0x35: {  	_ =	sfence.sel $0x180000  }
0x36: {  	[bflag:$0x0] =	sbarrier.arrive $0xFFFF  }
0x37: {  	p0 =	sne.s32 s1, $0x0;
	_ =	strace $0x9000004A  }
0x38: {  	s0 =	sadd.s32 @!p0 $0x100000, s0;
	[bflag:$0x2] =	sbarrier.arrive $0xFFFF  }
0x39: {  	[sflag:s0] =	ssyncadd.tile.s32 @!p0 $0x1;
	_ =	shalt  }
.Lfunc_end2:
_tile_overlayer_lowered:
.L_overlay_start_2:
0x3a: {  	(tag) =	ssettag $0x2  }
0x3b: {  	s0 =	rddreg [dreg:$0x0];
	s2 =	stileid.u32  }
0x3c: {  	s1 =	rddreg [dreg:$0x1];
	p0 =	sne.s32 s2, $0x0  }
0x3d: {  	s3 =	rddreg [dreg:$0x2];
	[bflag:$0x3] =	sbarrier.arrive $0xFFFF;
	s2 =	simm.s32 @!p0 $0x1C02  }
0x3e: {  	[timem:s3], [sflag:s2] =	dma.local @!p0 [hbm:s0], s1  }
0x3f: {  	s0 =	simm.s32 @!p0 $0x2  }
0x40: {  	_ =	swait.ge @!p0 [sflag:s0], s1  }
0x41: {  	s1 =	ssub.s32 @!p0 $0x0, s1;
	[sflag:s0] =	ssyncset.done @!p0 $0x0  }
0x42: {  	[sflag:s0] =	ssyncadd.s32 @!p0 s1  }
0x43: {  	[bflag:$0x3] =	sbarrier.arrive $0xFFFF  }
0x44: {  	_ =	shalt  }

// kernel: kernel.14.cloned.1.call-start
scs
__scs_entry_jumppad:
0x0: {  	(pc) =	sbr.rel $0x88, $3  }
0x1: {  	(tag) =	ssettag $0x0;
	lr =	simm.s32 $0x1  }
0x2: {  	[smem:$0x3F92] =	sst lr;
	_ =	strace $0xD0000000  }
0x3: {  	_ = 	snop  }
0x4: {  	_ = 	snop  }
0x5: {  	_ = 	snop  }
0x6: {  	_ = 	snop  }
0x7: {  	_ = 	snop  }
__scs_overlays_trampoline_lowered:
0x8: {  	[smem:$0x3FA1] =	sst s0  }
0x9: {  	[smem:$0x3FA2] =	sst s1  }
0xa: {  	[smem:$0x3FA3] =	sst s2  }
0xb: {  	[smem:$0x3FA4] =	sst s3  }
0xc: {  	[smem:$0x3FA5] =	sst s4  }
0xd: {  	[smem:$0x3FA6] =	sst s5  }
0xe: {  	[smem:$0x3FA7] =	sst s6  }
0xf: {  	[smem:$0x3FA8] =	sst s7  }
0x10: {  	[smem:$0x3FA9] =	sst s8  }
0x11: {  	[smem:$0x3FAA] =	sst s9;
	s0 =	simm.s32 @!p0 $0x0  }
0x12: {  	s1 =	sld [smem:$0x3F90];
	s0 =	simm.s32 @p0 $0x1  }
0x13: {  	[smem:$0x3FAB] =	sst s0;
	s0 =	simm.s32 @!p1 $0x0  }
0x14: {  	s2 =	sld [smem:$0x3F8F];
	s0 =	simm.s32 @p1 $0x1  }
0x15: {  	[smem:$0x3FAC] =	sst s0;
	s0 =	simm.s32 @!p2 $0x0  }
0x16: {  	s3 =	sld [smem:$0x3FDB];
	s0 =	simm.s32 @p2 $0x1  }
0x17: {  	s4 =	simm.s32 $0x1BF5;
	[smem:$0x3FAE] =	sst s0  }
0x18: {  	s0 =	sld [smem:$0x3F91];
	_ =	swait.ge [sflag:s4], $0x0  }
0x19: {  	s7 =	sld [smem:$0x3F92]  }
0x1a: {  	s8 =	sadd.s32 $0xFFFFE003, lr  }
0x1b: {  	s9 =	sadd.s32 $0xFFFFFEF7, lr;
	s5 =	simm.s32 $0xFFFFFFFF;
	p2 =	slt.u32 s8, $0xFFFFF086  }
0x1c: {  	p1 =	slt.u32 s9, $0xF7A;
	s5 =	simm.s32 @!p2 $0x0  }
0x1d: {  	s5 =	simm.s32 @p1 $0x1;
	p0 =	seq.s32 s7, s2  }
0x1e: {  	s7 =	smul.u32 @!p0 $0xF7A, s2;
	p2 =	seq.s32 @!p0 s5, $0x0  }
0x1f: {  	s9 =	smul.u32 $0xF7A, s1;
	s8 =	simm.s32 @!p0 $0x1BF5;
	p2 =	por !p2, p0  }
0x20: {  	[sflag:s8] =	ssyncset.s32 @!p0 $0xFFFFF086;
	s6 =	sadd.s32 @!p0 s3, s7;
	s7 =	simm.s32 @!p0 $0x108  }
0x21: {  	s3 =	sadd.s32 s3, s9;
	s6 =	sadd.s32 @!p0 $0x88, s6;
	s7 =	simm.s32 @p2 $0x1082  }
0x22: {  	[simem:s7], [sflag:s8] =	dma.local @!p0 [hbm:s6], $0xF7A  }
0x23: {  	s9 =	sor.u32 $0xD0000000, s2;
	s6 =	simm.s32 $0x108;
	_ =	swait.ge @!p0 [sflag:s8], $0x0  }
0x24: {  	s3 =	sadd.s32 $0x88, s3;
	s6 =	simm.s32 @!p1 $0x1082;
	[sflag:s4] =	ssyncset.s32 $0xFFFFF086  }
0x25: {  	[simem:s6], [sflag:s4] =	dma.local [hbm:s3], $0xF7A  }
0x26: {  	[smem:$0x3F92] =	sst s1;
	(tag) =	ssettag s2;
	_ =	strace s9  }
0x27: {  	s1 =	sld [smem:$0x3FA2]  }
0x28: {  	s2 =	sld [smem:$0x3FA3]  }
0x29: {  	s4 =	sld [smem:$0x3FA5]  }
0x2a: {  	p0 =	seq.s32 s5, $0x0;
	s5 =	sld [smem:$0x3FA6]  }
0x2b: {  	s6 =	sld [smem:$0x3FA7]  }
0x2c: {  	s7 =	sld [smem:$0x3FA8]  }
0x2d: {  	s3 =	simm.s32 $0x108;
	s8 =	sld [smem:$0x3FA9]  }
0x2e: {  	s3 =	simm.s32 @!p0 $0x1082;
	s9 =	sld [smem:$0x3FAA]  }
0x2f: {  	lr =	sadd.s32 s0, s3;
	s0 =	sld [smem:$0x3FA1]  }
0x30: {  	s3 =	sld [smem:$0x3FA4]  }
0x31: {  	[smem:$0x3FAD] =	sst s10  }
0x32: {  	s10 =	sld [smem:$0x3FAB];
	_ =	sdelay $0x3  }
0x33: {  	p0 =	seq.s32 s10, $0x1;
	s10 =	sld [smem:$0x3FAD];
	_ =	sdelay $0x3  }
0x34: {  	[smem:$0x3FAD] =	sst s10  }
0x35: {  	s10 =	sld [smem:$0x3FAC];
	_ =	sdelay $0x3  }
0x36: {  	p1 =	seq.s32 s10, $0x1;
	s10 =	sld [smem:$0x3FAD];
	_ =	sdelay $0x3  }
0x37: {  	[smem:$0x3FAD] =	sst s10  }
0x38: {  	s10 =	sld [smem:$0x3FAE]  }
0x39: {  	_ = 	snop;
	(pc) =	sbr.ind lr, $3  }
0x3a: {  	_ = 	snop  }
0x3b: {  	_ = 	snop  }
0x3c: {  	p2 =	seq.s32 s10, $0x1;
	s10 =	sld [smem:$0x3FAD]  }
0x3d: {  	_ =	shalt  }
0x3e: {  	_ =	shalt  }
0x3f: {  	_ =	shalt  }
0x40: {  	_ =	shalt  }
0x41: {  	_ =	shalt  }
0x42: {  	_ =	shalt  }
0x43: {  	_ =	shalt  }
0x44: {  	_ =	shalt  }
0x45: {  	_ =	shalt  }
0x46: {  	_ =	shalt  }
0x47: {  	_ =	shalt  }
0x48: {  	_ =	shalt  }
0x49: {  	_ =	shalt  }
0x4a: {  	_ =	shalt  }
0x4b: {  	_ =	shalt  }
0x4c: {  	_ =	shalt  }
0x4d: {  	_ =	shalt  }
0x4e: {  	_ =	shalt  }
0x4f: {  	_ =	shalt  }
0x50: {  	_ =	shalt  }
0x51: {  	_ =	shalt  }
0x52: {  	_ =	shalt  }
0x53: {  	_ =	shalt  }
0x54: {  	_ =	shalt  }
0x55: {  	_ =	shalt  }
0x56: {  	_ =	shalt  }
0x57: {  	_ =	shalt  }
0x58: {  	_ =	shalt  }
0x59: {  	_ =	shalt  }
0x5a: {  	_ =	shalt  }
0x5b: {  	_ =	shalt  }
0x5c: {  	_ =	shalt  }
0x5d: {  	_ =	shalt  }
0x5e: {  	_ =	shalt  }
0x5f: {  	_ =	shalt  }
0x60: {  	_ =	shalt  }
0x61: {  	_ =	shalt  }
0x62: {  	_ =	shalt  }
0x63: {  	_ =	shalt  }
0x64: {  	_ =	shalt  }
0x65: {  	_ =	shalt  }
0x66: {  	_ =	shalt  }
0x67: {  	_ =	shalt  }
0x68: {  	_ =	shalt  }
0x69: {  	_ =	shalt  }
0x6a: {  	_ =	shalt  }
0x6b: {  	_ =	shalt  }
0x6c: {  	_ =	shalt  }
0x6d: {  	_ =	shalt  }
0x6e: {  	_ =	shalt  }
0x6f: {  	_ =	shalt  }
0x70: {  	_ =	shalt  }
0x71: {  	_ =	shalt  }
0x72: {  	_ =	shalt  }
0x73: {  	_ =	shalt  }
0x74: {  	_ =	shalt  }
0x75: {  	_ =	shalt  }
0x76: {  	_ =	shalt  }
0x77: {  	_ =	shalt  }
0x78: {  	_ =	shalt  }
0x79: {  	_ =	shalt  }
0x7a: {  	_ =	shalt  }
0x7b: {  	_ =	shalt  }
0x7c: {  	_ =	shalt  }
0x7d: {  	_ =	shalt  }
0x7e: {  	_ =	shalt  }
0x7f: {  	_ =	shalt  }
0x80: {  	_ =	shalt  }
0x81: {  	_ =	shalt  }
0x82: {  	_ =	shalt  }
0x83: {  	_ =	shalt  }
0x84: {  	_ =	shalt  }
0x85: {  	_ =	shalt  }
0x86: {  	_ =	shalt  }
0x87: {  	_ =	shalt  }
.Lfunc_end0:
.L_simem_size_0:
called_computation.2_lowered:
.L_overlay_start_0:
0x88: {  	s2 =	sld [smem:$0x3FD9]  }
0x89: {  	s3 =	sld [smem:$0x3FFE];
	_ =	sdelay $0x1  }
0x8a: {  	s1 =	srdreg.scid  }
0x8b: {  	s0 =	sand.u32 $0x1, s1  }
0x8c: {  	s16 =	sshll.u32 s0, $0xA;
	s2 =	sadd.s32 s3, s2  }
0x8d: {  	s2 =	sadd.s32 s2, s16  }
0x8e: {  	[smem:$0x3FB9] =	sst s2  }
0x8f: {  	_ = 	snop  }
0x90: {  	(tm) =	ssettm $0x1  }
0x91: {  	s17 =	sld [smem:$0x3FFB];
	_ =	sdelay $0x3  }
0x92: {  	_ =	strace s17  }
0x93: {  	s2 =	sld [smem:$0x3FFC];
	_ =	sdelay $0x3  }
0x94: {  	_ =	strace s2  }
0x95: {  	s2 =	sld [smem:$0x3FFD];
	_ =	sdelay $0x3  }
0x96: {  	_ =	strace s2  }
0x97: {  	_ =	strace $0x8FFFFFFF  }
0x98: {  	s18 =	sld [smem:$0x3FDB];
	_ =	sdelay $0x1  }
0x99: {  	s19 =	simm.s32 $_scs_section_size  }
0x9a: {  	s4 =	simm.s32 $_size__tile_overlayer_lowered;
	s5 =	simm.s32 $_tile_overlayer_lowered  }
0x9b: {  	s22 =	simm.s32 $0x1BFF;
	s21 =	sshll.u32 s5, $0x1;
	s2 =	sadd.s32 s19, s18  }
0x9c: {  	s6 =	simm.s32 $0x0;
	s20 =	sshll.u32 s4, $0x1;
	s4 =	sadd.s32 s21, s2  }
0x9d: {  	[timem:s6], [sflag:s22] =	dma.local [hbm:s4], s20  }
0x9e: {  	_ =	swait.ge [sflag:s22], s20  }
0x9f: {  	s3 =	ssub.s32 $0x0, s20;
	[sflag:s22] =	ssyncset.done $0x0  }
0xa0: {  	[sflag:s22] =	ssyncadd.s32 s3;
	_ =	sdelay $0x1  }
0xa1: {  	s23 =	simm.s32 $0x1B8B  }
0xa2: {  	_ =	swait.ge [sflag:s23], $0x1  }
0xa3: {  	[sflag:s23] =	ssyncset.done $0x0  }
0xa4: {  	s25 =	simm.s32 $0x1B8E;
	s24 =	sld [smem:$0x3FFE];
	[sflag:s23] =	ssyncadd.s32 $0xFFFFFFFF  }
0xa5: {  	s26 =	simm.s32 $execute0_lowered;
	[smem:$0x3FD2] =	sst s25  }
0xa6: {  	s4 =	sshll.u32 s26, $0x1;
	_ =	strace $0x8000004C;
	[dreg:$0x1] =	wrdreg $0xFFFFFFFF  }
0xa7: {  	s28 =	simm.s32 $_size_execute0_lowered;
	s2 =	sadd.s32 s2, s4;
	[dreg:$0x0] =	wrdreg $0x0  }
0xa8: {  	s4 =	sshll.u32 s28, $0x1;
	[dreg:$0x2] =	wrdreg s2  }
0xa9: {  	[dreg:$0x3] =	wrdreg s4  }
0xaa: {  	[dreg:$0x4] =	wrdreg $0xC0  }
0xab: {  	_ =	task [dreg:s6], $0x5FFFF  }
0xac: {  	[dreg:$0x1] =	wrdreg $0xFFFFFFFF  }
0xad: {  	[dreg:$0x0] =	wrdreg $0x60  }
0xae: {  	[dreg:$0x2] =	wrdreg s24  }
0xaf: {  	[dreg:$0x3] =	wrdreg $0x120000  }
0xb0: {  	[dreg:$0x4] =	wrdreg $0x9  }
0xb1: {  	_ =	task.clear_ibuf [dreg:s6], $0x5FFFF;
	_ =	strace $0x9000004C  }
0xb2: {  	s29 =	simm.s32 $0x9;
	_ =	strace $0x8000004E  }
0xb3: {  	_ =	swait.ge [sflag:s29], $0x1  }
0xb4: {  	[sflag:s29] =	ssyncadd.s32 $0xFFFFFFFF  }
0xb5: {  	_ =	strace $0x9000004E  }
0xb6: {  	_ =	sfence  }
0xb7: {  	s30 =	sld [smem:$0x0];
	_ =	sdelay $0x2  }
0xb8: {  	s31 =	sshll.u32 s1, $0xD;
	s1 =	sshrl.u32 s1, $0x2  }
0xb9: {  	s3 =	sand.u32 $0x4000, s31;
	s1 =	sadd.s32 s1, s30  }
0xba: {  	s0 =	sor.u32 s3, s0;
	s1 =	sshll.u32 s1, $0x11  }
0xbb: {  	s0 =	sor.u32 s1, s0  }
0xbc: {  	s0 =	sadd.s32 $0x8F2B, s0  }
0xbd: {  	[sflag:s0] =	ssyncadd.remote.s32 $0x1  }
0xbe: {  	_ =	sfence.sel $0xFFFF  }
0xbf: {  	[dreg:$0x0] =	wrdreg $0xFFFFFFFF;
	(pc) =	sbr.abs _section_cstart, $3  }
0xc0: {  	[dreg:$0x1] =	wrdreg $0xFFFFFFFF  }
0xc1: {  	_ =	task.clear_ibuf [dreg:s6], $0x2FFFF;
	_ =	strace $0x9FFFFFFF  }
0xc2: {  	(tm) =	ssettm $0x7FFFFFFF  }
0xc3: {  	_ =	shalt  }
tec
execute0_lowered:
.L_overlay_start_1:
0x0: {  	(tag) =	ssettag $0x1  }
0x1: {  	s3 =	rddreg [dreg:$0x0]  }
0x2: {  	s4 =	rddreg [dreg:$0x1];
	s1 =	srdreg.scid  }
0x3: {  	s0 =	rddreg [dreg:$0x2];
	s2 =	simm.s32 $0x0;
	s14 =	simm.s32 $0xA000  }
0x4: {  	s15 =	simm.s32 $0xC000;
	s16 =	simm.s32 $0x100;
	s5 =	sand.u32 $0x1, s1  }
0x5: {  	s17 =	simm.s32 $0xE000;
	s1 =	stileid.u32;
	s6 =	smul.u32 $0x2800, s5  }
0x6: {  	s18 =	simm.s32 $0x1;
	s19 =	simm.s32 $0x0;
	s7 =	smul.u32 $0x280, s1  }
0x7: {  	[smem:$0x7FF] =	sst s2;
	s8 =	sadd.s32 $0x2A00, s3;
	s9 =	smul.u32 $0xA00, s1  }
0x8: {  	_ =	strace $0x8000004D;
	s28 =	ssub.s32 $0x2, s5;
	s11 =	smul.u32 $0x28000, s1  }
0x9: {  	s30 =	sshll.u32 s1, $0x6;
	s31 =	smul.u32 $0x14000, s5;
	s10 =	sshrl.u32 s28, $0x1  }
0xa: {  	s6 =	sadd.s32 s7, s6;
	s9 =	sadd.s32 s9, s3;
	s10 =	ssub.s32 s28, s10  }
0xb: {  	s29 =	sshrl.u32 s11, $0x2;
	s7 =	sadd.s32 s8, s31;
	s11 =	simm.s32 $0x2  }
0xc: {  	s6 =	sshll.u32 s6, $0x3;
	s13 =	sadd.s32 s29, s4;
	s4 =	sor.u32 $0x1C02, s30  }
0xd: {  	s5 =	sadd.s32 $0x2AA00, s9;
	s12 =	sadd.s32 s6, s3;
	s3 =	sadd.s32 s8, s6  }
0xe: {  	s6 =	sadd.s32 $0x34A00, s9;
	s9 =	smax.u32 s10, $0x1;
	s10 =	sshrl.u32 s13, $0x3  }
0xf: {  	s13 =	simm.s32 $0x80;
	s8 =	sadd.s32 $0x3EA00, s12;
	s12 =	simm.s32 $0x5000  }
.LBB2_1:
0x10: {  	[spmem:s10], [sflag:s4] =	dma.local [hbm:s3], $0x1400  }
0x11: {  	_ =	swait.ge [sflag:s11], $0x1400  }
0x12: {  	[sflag:s11] =	ssyncset.done $0x0  }
0x13: {  	[sflag:s11] =	ssyncadd.s32 $0xFFFFEC00  }
0x14: {  	[tilespmem:s2], [sflag:$0x2] =	stream.linear.gather [hbm4b:s5+s2], $0x5000, $0x38;
	[tilespmem:$0x1C000] =	vst v63  }
0x15: {  	_ =	swait.ge [sflag:s11], $0x5000  }
0x16: {  	[sflag:s11] =	ssyncset.done $0x0  }
0x17: {  	[sflag:s11] =	ssyncadd.s32 $0xFFFFB000  }
0x18: {  	[tilespmem:s12], [sflag:$0x2] =	stream.linear.gather [hbm4b:s6+s2], $0x5000, $0x38;
	[tilespmem:$0x1C000] =	vst v63  }
0x19: {  	_ =	swait.ge [sflag:s11], $0x5000  }
0x1a: {  	[sflag:s11] =	ssyncset.done $0x0  }
0x1b: {  	[sflag:s11] =	ssyncadd.s32 $0xFFFFB000  }
0x1c: {  	[bflag:$0x0] =	sbarrier.arrive $0xFFFF  }
0x1d: {  	[tilespmem:s14], [sflag:$0x1] =	stream.indirect.gather [hbm4b:s7+s13], $0x40, s2, s13, $0xb8;
	[tilespmem:$0x1C000] =	vst v63  }
0x1e: {  	s21 =	simm.s32 $0x18000  }
0x1f: {  	[tilespmem:s15], [sflag:$0x1] =	stream.indirect.gather [hbm4b:s7+s13], $0x40, s13, s13, $0xb8;
	[tilespmem:$0x1C000] =	vst v63  }
0x20: {  	s22 =	simm.s32 $0x180;
	s20 =	simm.s32 $0x20000;
	p0 =	por $0x0, $0x0  }
0x21: {  	[tilespmem:s17], [sflag:$0x1] =	stream.indirect.gather [hbm4b:s7+s13], $0x40, s16, s13, $0xb8;
	[tilespmem:$0x1C000] =	vst v63  }
0x22: {  	s23 =	sand.u32 @!p0 $0x18000, s21;
	s21 =	simm.s32 $0x200;
	_ =	swait.ge [sflag:s18], $0x2000  }
0x23: {  	s25 =	simm.s32 @!p0 $0x80;
	s24 =	sshrl.u32 @!p0 s23, $0x2;
	[sflag:s18] =	ssyncset.done $0x0  }
0x24: {  	s23 =	simm.s32 $0x1;
	s24 =	sadd.s32 @!p0 $0xA000, s24;
	[sflag:s18] =	ssyncadd.s32 $0xFFFFE000  }
.LBB2_2:
0x25: {  	[tilespmem:s24], [sflag:$0x1] =	stream.indirect.gather @!p0 [hbm4b:s7+s25], $0x40, s22, s25, $0xb8;
	[tilespmem:$0x1C000] =	vst v63  }
0x26: {  	s24 =	smov.u32 s20;
	s20 =	sadd.s32 $0x8000, s20  }
0x27: {  	p1 =	sne.s32 s20, $0x518000  }
.Ltmp0:
0x28: {  	(pc) =	sbr.rel @p1 .LBB2_2-.Ltmp0, $4  }
0x29: {  	p0 =	sgt.u32 s23, $0x9C;
	s22 =	smov.u32 s21  }
0x2a: {  	s21 =	sadd.s32 $0x80, s21;
	s24 =	sand.u32 @!p0 $0x18000, s24;
	_ =	swait.ge [sflag:s18], $0x2000  }
0x2b: {  	s23 =	sadd.s32 $0x1, s23;
	s24 =	sshrl.u32 @!p0 s24, $0x2;
	[sflag:s18] =	ssyncset.done $0x0  }
0x2c: {  	s25 =	simm.s32 @!p0 $0x80;
	s24 =	sadd.s32 @!p0 $0xA000, s24;
	[sflag:s18] =	ssyncadd.s32 $0xFFFFE000  }
0x2d: {  	[tilespmem:s24], [sflag:$0x1] =	stream.indirect.gather @!p0 [hbm4b:s7+s25], $0x40, s22, s25, $0xb8;
	[tilespmem:$0x1C000] =	vst v63  }
0x2e: {  	s19 =	sadd.s32 $0x1, s19  }
0x2f: {  	p0 =	sne.s32 s19, s9  }
.Ltmp1:
0x30: {  	[bflag:$0x0] =	sbarrier.arrive $0xFFFF;
	(pc) =	sbr.rel @p0 .LBB2_1-.Ltmp1, $4  }
0x31: {  	[hbm:s8], [sflag:s4] =	dma.local [spmem:s10], $0x1400  }
0x32: {  	_ =	swait.ge [sflag:s11], $0x1400  }
0x33: {  	[sflag:s11] =	ssyncset.done $0x0  }
0x34: {  	[sflag:s11] =	ssyncadd.s32 $0xFFFFEC00  }
0x35: {  	_ =	sfence.sel $0x180000  }
0x36: {  	[bflag:$0x0] =	sbarrier.arrive $0xFFFF  }
0x37: {  	p0 =	sne.s32 s1, $0x0;
	_ =	strace $0x9000004D  }
0x38: {  	s0 =	sadd.s32 @!p0 $0x100000, s0;
	[bflag:$0x2] =	sbarrier.arrive $0xFFFF  }
0x39: {  	[sflag:s0] =	ssyncadd.tile.s32 @!p0 $0x1;
	_ =	shalt  }
.Lfunc_end2:
_tile_overlayer_lowered:
.L_overlay_start_2:
0x3a: {  	(tag) =	ssettag $0x2  }
0x3b: {  	s0 =	rddreg [dreg:$0x0];
	s2 =	stileid.u32  }
0x3c: {  	s1 =	rddreg [dreg:$0x1];
	p0 =	sne.s32 s2, $0x0  }
0x3d: {  	s3 =	rddreg [dreg:$0x2];
	[bflag:$0x3] =	sbarrier.arrive $0xFFFF;
	s2 =	simm.s32 @!p0 $0x1C02  }
0x3e: {  	[timem:s3], [sflag:s2] =	dma.local @!p0 [hbm:s0], s1  }
0x3f: {  	s0 =	simm.s32 @!p0 $0x2  }
0x40: {  	_ =	swait.ge @!p0 [sflag:s0], s1  }
0x41: {  	s1 =	ssub.s32 @!p0 $0x0, s1;
	[sflag:s0] =	ssyncset.done @!p0 $0x0  }
0x42: {  	[sflag:s0] =	ssyncadd.s32 @!p0 s1  }
0x43: {  	[bflag:$0x3] =	sbarrier.arrive $0xFFFF  }
0x44: {  	_ =	shalt  }

// kernel: kernel.8.cloned.1.call-start
scs
__scs_entry_jumppad:
0x0: {  	(pc) =	sbr.rel $0x88, $3  }
0x1: {  	(tag) =	ssettag $0x0;
	lr =	simm.s32 $0x1  }
0x2: {  	[smem:$0x3F92] =	sst lr;
	_ =	strace $0xD0000000  }
0x3: {  	_ = 	snop  }
0x4: {  	_ = 	snop  }
0x5: {  	_ = 	snop  }
0x6: {  	_ = 	snop  }
0x7: {  	_ = 	snop  }
__scs_overlays_trampoline_lowered:
0x8: {  	[smem:$0x3FA1] =	sst s0  }
0x9: {  	[smem:$0x3FA2] =	sst s1  }
0xa: {  	[smem:$0x3FA3] =	sst s2  }
0xb: {  	[smem:$0x3FA4] =	sst s3  }
0xc: {  	[smem:$0x3FA5] =	sst s4  }
0xd: {  	[smem:$0x3FA6] =	sst s5  }
0xe: {  	[smem:$0x3FA7] =	sst s6  }
0xf: {  	[smem:$0x3FA8] =	sst s7  }
0x10: {  	[smem:$0x3FA9] =	sst s8  }
0x11: {  	[smem:$0x3FAA] =	sst s9;
	s0 =	simm.s32 @!p0 $0x0  }
0x12: {  	s1 =	sld [smem:$0x3F90];
	s0 =	simm.s32 @p0 $0x1  }
0x13: {  	[smem:$0x3FAB] =	sst s0;
	s0 =	simm.s32 @!p1 $0x0  }
0x14: {  	s2 =	sld [smem:$0x3F8F];
	s0 =	simm.s32 @p1 $0x1  }
0x15: {  	[smem:$0x3FAC] =	sst s0;
	s0 =	simm.s32 @!p2 $0x0  }
0x16: {  	s3 =	sld [smem:$0x3FDB];
	s0 =	simm.s32 @p2 $0x1  }
0x17: {  	s4 =	simm.s32 $0x1BF5;
	[smem:$0x3FAE] =	sst s0  }
0x18: {  	s0 =	sld [smem:$0x3F91];
	_ =	swait.ge [sflag:s4], $0x0  }
0x19: {  	s7 =	sld [smem:$0x3F92]  }
0x1a: {  	s8 =	sadd.s32 $0xFFFFE003, lr  }
0x1b: {  	s9 =	sadd.s32 $0xFFFFFEF7, lr;
	s5 =	simm.s32 $0xFFFFFFFF;
	p2 =	slt.u32 s8, $0xFFFFF086  }
0x1c: {  	p1 =	slt.u32 s9, $0xF7A;
	s5 =	simm.s32 @!p2 $0x0  }
0x1d: {  	s5 =	simm.s32 @p1 $0x1;
	p0 =	seq.s32 s7, s2  }
0x1e: {  	s7 =	smul.u32 @!p0 $0xF7A, s2;
	p2 =	seq.s32 @!p0 s5, $0x0  }
0x1f: {  	s9 =	smul.u32 $0xF7A, s1;
	s8 =	simm.s32 @!p0 $0x1BF5;
	p2 =	por !p2, p0  }
0x20: {  	[sflag:s8] =	ssyncset.s32 @!p0 $0xFFFFF086;
	s6 =	sadd.s32 @!p0 s3, s7;
	s7 =	simm.s32 @!p0 $0x108  }
0x21: {  	s3 =	sadd.s32 s3, s9;
	s6 =	sadd.s32 @!p0 $0x88, s6;
	s7 =	simm.s32 @p2 $0x1082  }
0x22: {  	[simem:s7], [sflag:s8] =	dma.local @!p0 [hbm:s6], $0xF7A  }
0x23: {  	s9 =	sor.u32 $0xD0000000, s2;
	s6 =	simm.s32 $0x108;
	_ =	swait.ge @!p0 [sflag:s8], $0x0  }
0x24: {  	s3 =	sadd.s32 $0x88, s3;
	s6 =	simm.s32 @!p1 $0x1082;
	[sflag:s4] =	ssyncset.s32 $0xFFFFF086  }
0x25: {  	[simem:s6], [sflag:s4] =	dma.local [hbm:s3], $0xF7A  }
0x26: {  	[smem:$0x3F92] =	sst s1;
	(tag) =	ssettag s2;
	_ =	strace s9  }
0x27: {  	s1 =	sld [smem:$0x3FA2]  }
0x28: {  	s2 =	sld [smem:$0x3FA3]  }
0x29: {  	s4 =	sld [smem:$0x3FA5]  }
0x2a: {  	p0 =	seq.s32 s5, $0x0;
	s5 =	sld [smem:$0x3FA6]  }
0x2b: {  	s6 =	sld [smem:$0x3FA7]  }
0x2c: {  	s7 =	sld [smem:$0x3FA8]  }
0x2d: {  	s3 =	simm.s32 $0x108;
	s8 =	sld [smem:$0x3FA9]  }
0x2e: {  	s3 =	simm.s32 @!p0 $0x1082;
	s9 =	sld [smem:$0x3FAA]  }
0x2f: {  	lr =	sadd.s32 s0, s3;
	s0 =	sld [smem:$0x3FA1]  }
0x30: {  	s3 =	sld [smem:$0x3FA4]  }
0x31: {  	[smem:$0x3FAD] =	sst s10  }
0x32: {  	s10 =	sld [smem:$0x3FAB];
	_ =	sdelay $0x3  }
0x33: {  	p0 =	seq.s32 s10, $0x1;
	s10 =	sld [smem:$0x3FAD];
	_ =	sdelay $0x3  }
0x34: {  	[smem:$0x3FAD] =	sst s10  }
0x35: {  	s10 =	sld [smem:$0x3FAC];
	_ =	sdelay $0x3  }
0x36: {  	p1 =	seq.s32 s10, $0x1;
	s10 =	sld [smem:$0x3FAD];
	_ =	sdelay $0x3  }
0x37: {  	[smem:$0x3FAD] =	sst s10  }
0x38: {  	s10 =	sld [smem:$0x3FAE]  }
0x39: {  	_ = 	snop;
	(pc) =	sbr.ind lr, $3  }
0x3a: {  	_ = 	snop  }
0x3b: {  	_ = 	snop  }
0x3c: {  	p2 =	seq.s32 s10, $0x1;
	s10 =	sld [smem:$0x3FAD]  }
0x3d: {  	_ =	shalt  }
0x3e: {  	_ =	shalt  }
0x3f: {  	_ =	shalt  }
0x40: {  	_ =	shalt  }
0x41: {  	_ =	shalt  }
0x42: {  	_ =	shalt  }
0x43: {  	_ =	shalt  }
0x44: {  	_ =	shalt  }
0x45: {  	_ =	shalt  }
0x46: {  	_ =	shalt  }
0x47: {  	_ =	shalt  }
0x48: {  	_ =	shalt  }
0x49: {  	_ =	shalt  }
0x4a: {  	_ =	shalt  }
0x4b: {  	_ =	shalt  }
0x4c: {  	_ =	shalt  }
0x4d: {  	_ =	shalt  }
0x4e: {  	_ =	shalt  }
0x4f: {  	_ =	shalt  }
0x50: {  	_ =	shalt  }
0x51: {  	_ =	shalt  }
0x52: {  	_ =	shalt  }
0x53: {  	_ =	shalt  }
0x54: {  	_ =	shalt  }
0x55: {  	_ =	shalt  }
0x56: {  	_ =	shalt  }
0x57: {  	_ =	shalt  }
0x58: {  	_ =	shalt  }
0x59: {  	_ =	shalt  }
0x5a: {  	_ =	shalt  }
0x5b: {  	_ =	shalt  }
0x5c: {  	_ =	shalt  }
0x5d: {  	_ =	shalt  }
0x5e: {  	_ =	shalt  }
0x5f: {  	_ =	shalt  }
0x60: {  	_ =	shalt  }
0x61: {  	_ =	shalt  }
0x62: {  	_ =	shalt  }
0x63: {  	_ =	shalt  }
0x64: {  	_ =	shalt  }
0x65: {  	_ =	shalt  }
0x66: {  	_ =	shalt  }
0x67: {  	_ =	shalt  }
0x68: {  	_ =	shalt  }
0x69: {  	_ =	shalt  }
0x6a: {  	_ =	shalt  }
0x6b: {  	_ =	shalt  }
0x6c: {  	_ =	shalt  }
0x6d: {  	_ =	shalt  }
0x6e: {  	_ =	shalt  }
0x6f: {  	_ =	shalt  }
0x70: {  	_ =	shalt  }
0x71: {  	_ =	shalt  }
0x72: {  	_ =	shalt  }
0x73: {  	_ =	shalt  }
0x74: {  	_ =	shalt  }
0x75: {  	_ =	shalt  }
0x76: {  	_ =	shalt  }
0x77: {  	_ =	shalt  }
0x78: {  	_ =	shalt  }
0x79: {  	_ =	shalt  }
0x7a: {  	_ =	shalt  }
0x7b: {  	_ =	shalt  }
0x7c: {  	_ =	shalt  }
0x7d: {  	_ =	shalt  }
0x7e: {  	_ =	shalt  }
0x7f: {  	_ =	shalt  }
0x80: {  	_ =	shalt  }
0x81: {  	_ =	shalt  }
0x82: {  	_ =	shalt  }
0x83: {  	_ =	shalt  }
0x84: {  	_ =	shalt  }
0x85: {  	_ =	shalt  }
0x86: {  	_ =	shalt  }
0x87: {  	_ =	shalt  }
.Lfunc_end0:
.L_simem_size_0:
called_computation_lowered:
.L_overlay_start_0:
0x88: {  	s2 =	sld [smem:$0x3FD9]  }
0x89: {  	s3 =	sld [smem:$0x3FFE];
	_ =	sdelay $0x1  }
0x8a: {  	s1 =	srdreg.scid  }
0x8b: {  	s0 =	sand.u32 $0x1, s1  }
0x8c: {  	s16 =	sshll.u32 s0, $0xA;
	s2 =	sadd.s32 s3, s2  }
0x8d: {  	s2 =	sadd.s32 s2, s16  }
0x8e: {  	[smem:$0x3FB9] =	sst s2  }
0x8f: {  	_ = 	snop  }
0x90: {  	(tm) =	ssettm $0x1  }
0x91: {  	s17 =	sld [smem:$0x3FFB];
	_ =	sdelay $0x3  }
0x92: {  	_ =	strace s17  }
0x93: {  	s2 =	sld [smem:$0x3FFC];
	_ =	sdelay $0x3  }
0x94: {  	_ =	strace s2  }
0x95: {  	s2 =	sld [smem:$0x3FFD];
	_ =	sdelay $0x3  }
0x96: {  	_ =	strace s2  }
0x97: {  	_ =	strace $0x8FFFFFFF  }
0x98: {  	s18 =	sld [smem:$0x3FDB];
	_ =	sdelay $0x1  }
0x99: {  	s19 =	simm.s32 $_scs_section_size  }
0x9a: {  	s4 =	simm.s32 $_size__tile_overlayer_lowered;
	s5 =	simm.s32 $_tile_overlayer_lowered  }
0x9b: {  	s22 =	simm.s32 $0x1BFF;
	s21 =	sshll.u32 s5, $0x1;
	s2 =	sadd.s32 s19, s18  }
0x9c: {  	s6 =	simm.s32 $0x0;
	s20 =	sshll.u32 s4, $0x1;
	s4 =	sadd.s32 s21, s2  }
0x9d: {  	[timem:s6], [sflag:s22] =	dma.local [hbm:s4], s20  }
0x9e: {  	_ =	swait.ge [sflag:s22], s20  }
0x9f: {  	s3 =	ssub.s32 $0x0, s20;
	[sflag:s22] =	ssyncset.done $0x0  }
0xa0: {  	[sflag:s22] =	ssyncadd.s32 s3;
	_ =	sdelay $0x1  }
0xa1: {  	s23 =	simm.s32 $0x1B8B  }
0xa2: {  	_ =	swait.ge [sflag:s23], $0x1  }
0xa3: {  	[sflag:s23] =	ssyncset.done $0x0  }
0xa4: {  	s25 =	simm.s32 $0x1B8E;
	s24 =	sld [smem:$0x3FFE];
	[sflag:s23] =	ssyncadd.s32 $0xFFFFFFFF  }
0xa5: {  	s26 =	simm.s32 $execute0_lowered;
	[smem:$0x3FD2] =	sst s25  }
0xa6: {  	s4 =	sshll.u32 s26, $0x1;
	_ =	strace $0x80000046;
	[dreg:$0x1] =	wrdreg $0xFFFFFFFF  }
0xa7: {  	s28 =	simm.s32 $_size_execute0_lowered;
	s2 =	sadd.s32 s2, s4;
	[dreg:$0x0] =	wrdreg $0x0  }
0xa8: {  	s4 =	sshll.u32 s28, $0x1;
	[dreg:$0x2] =	wrdreg s2  }
0xa9: {  	[dreg:$0x3] =	wrdreg s4  }
0xaa: {  	[dreg:$0x4] =	wrdreg $0xC0  }
0xab: {  	_ =	task [dreg:s6], $0x5FFFF  }
0xac: {  	[dreg:$0x1] =	wrdreg $0xFFFFFFFF  }
0xad: {  	[dreg:$0x0] =	wrdreg $0x60  }
0xae: {  	[dreg:$0x2] =	wrdreg s24  }
0xaf: {  	[dreg:$0x3] =	wrdreg $0x120000  }
0xb0: {  	[dreg:$0x4] =	wrdreg $0x9  }
0xb1: {  	_ =	task.clear_ibuf [dreg:s6], $0x5FFFF;
	_ =	strace $0x90000046  }
0xb2: {  	s29 =	simm.s32 $0x9;
	_ =	strace $0x80000048  }
0xb3: {  	_ =	swait.ge [sflag:s29], $0x1  }
0xb4: {  	[sflag:s29] =	ssyncadd.s32 $0xFFFFFFFF  }
0xb5: {  	_ =	strace $0x90000048  }
0xb6: {  	_ =	sfence  }
0xb7: {  	s30 =	sld [smem:$0x0];
	_ =	sdelay $0x2  }
0xb8: {  	s31 =	sshll.u32 s1, $0xD;
	s1 =	sshrl.u32 s1, $0x2  }
0xb9: {  	s3 =	sand.u32 $0x4000, s31;
	s1 =	sadd.s32 s1, s30  }
0xba: {  	s0 =	sor.u32 s3, s0;
	s1 =	sshll.u32 s1, $0x11  }
0xbb: {  	s0 =	sor.u32 s1, s0  }
0xbc: {  	s0 =	sadd.s32 $0x8F2B, s0  }
0xbd: {  	[sflag:s0] =	ssyncadd.remote.s32 $0x1  }
0xbe: {  	_ =	sfence.sel $0xFFFF  }
0xbf: {  	[dreg:$0x0] =	wrdreg $0xFFFFFFFF;
	(pc) =	sbr.abs _section_cstart, $3  }
0xc0: {  	[dreg:$0x1] =	wrdreg $0xFFFFFFFF  }
0xc1: {  	_ =	task.clear_ibuf [dreg:s6], $0x2FFFF;
	_ =	strace $0x9FFFFFFF  }
0xc2: {  	(tm) =	ssettm $0x7FFFFFFF  }
0xc3: {  	_ =	shalt  }
tec
execute0_lowered:
.L_overlay_start_1:
0x0: {  	(tag) =	ssettag $0x1  }
0x1: {  	s3 =	rddreg [dreg:$0x0]  }
0x2: {  	s4 =	rddreg [dreg:$0x1];
	s1 =	srdreg.scid  }
0x3: {  	s0 =	rddreg [dreg:$0x2];
	s2 =	simm.s32 $0x0;
	s14 =	simm.s32 $0xA000  }
0x4: {  	s15 =	simm.s32 $0xC000;
	s16 =	simm.s32 $0x100;
	s5 =	sand.u32 $0x1, s1  }
0x5: {  	s17 =	simm.s32 $0xE000;
	s1 =	stileid.u32;
	s6 =	smul.u32 $0x2800, s5  }
0x6: {  	s18 =	simm.s32 $0x1;
	s19 =	simm.s32 $0x0;
	s7 =	smul.u32 $0x280, s1  }
0x7: {  	[smem:$0x7FF] =	sst s2;
	s8 =	sadd.s32 $0x2A00, s3;
	s9 =	smul.u32 $0xA00, s1  }
0x8: {  	_ =	strace $0x80000047;
	s28 =	ssub.s32 $0x2, s5;
	s11 =	smul.u32 $0x28000, s1  }
0x9: {  	s30 =	sshll.u32 s1, $0x6;
	s31 =	smul.u32 $0x14000, s5;
	s10 =	sshrl.u32 s28, $0x1  }
0xa: {  	s6 =	sadd.s32 s7, s6;
	s9 =	sadd.s32 s9, s3;
	s10 =	ssub.s32 s28, s10  }
0xb: {  	s29 =	sshrl.u32 s11, $0x2;
	s7 =	sadd.s32 s8, s31;
	s11 =	simm.s32 $0x2  }
0xc: {  	s6 =	sshll.u32 s6, $0x3;
	s13 =	sadd.s32 s29, s4;
	s4 =	sor.u32 $0x1C02, s30  }
0xd: {  	s5 =	sadd.s32 $0x2AA00, s9;
	s12 =	sadd.s32 s6, s3;
	s3 =	sadd.s32 s8, s6  }
0xe: {  	s6 =	sadd.s32 $0x34A00, s9;
	s9 =	smax.u32 s10, $0x1;
	s10 =	sshrl.u32 s13, $0x3  }
0xf: {  	s13 =	simm.s32 $0x80;
	s8 =	sadd.s32 $0x3EA00, s12;
	s12 =	simm.s32 $0x5000  }
.LBB2_1:
0x10: {  	[spmem:s10], [sflag:s4] =	dma.local [hbm:s3], $0x1400  }
0x11: {  	_ =	swait.ge [sflag:s11], $0x1400  }
0x12: {  	[sflag:s11] =	ssyncset.done $0x0  }
0x13: {  	[sflag:s11] =	ssyncadd.s32 $0xFFFFEC00  }
0x14: {  	[tilespmem:s2], [sflag:$0x2] =	stream.linear.gather [hbm4b:s5+s2], $0x5000, $0x38;
	[tilespmem:$0x1C000] =	vst v63  }
0x15: {  	_ =	swait.ge [sflag:s11], $0x5000  }
0x16: {  	[sflag:s11] =	ssyncset.done $0x0  }
0x17: {  	[sflag:s11] =	ssyncadd.s32 $0xFFFFB000  }
0x18: {  	[tilespmem:s12], [sflag:$0x2] =	stream.linear.gather [hbm4b:s6+s2], $0x5000, $0x38;
	[tilespmem:$0x1C000] =	vst v63  }
0x19: {  	_ =	swait.ge [sflag:s11], $0x5000  }
0x1a: {  	[sflag:s11] =	ssyncset.done $0x0  }
0x1b: {  	[sflag:s11] =	ssyncadd.s32 $0xFFFFB000  }
0x1c: {  	[bflag:$0x0] =	sbarrier.arrive $0xFFFF  }
0x1d: {  	[tilespmem:s14], [sflag:$0x1] =	stream.indirect.gather [hbm4b:s7+s13], $0x40, s2, s13, $0xb8;
	[tilespmem:$0x1C000] =	vst v63  }
0x1e: {  	s21 =	simm.s32 $0x18000  }
0x1f: {  	[tilespmem:s15], [sflag:$0x1] =	stream.indirect.gather [hbm4b:s7+s13], $0x40, s13, s13, $0xb8;
	[tilespmem:$0x1C000] =	vst v63  }
0x20: {  	s22 =	simm.s32 $0x180;
	s20 =	simm.s32 $0x20000;
	p0 =	por $0x0, $0x0  }
0x21: {  	[tilespmem:s17], [sflag:$0x1] =	stream.indirect.gather [hbm4b:s7+s13], $0x40, s16, s13, $0xb8;
	[tilespmem:$0x1C000] =	vst v63  }
0x22: {  	s23 =	sand.u32 @!p0 $0x18000, s21;
	s21 =	simm.s32 $0x200;
	_ =	swait.ge [sflag:s18], $0x2000  }
0x23: {  	s25 =	simm.s32 @!p0 $0x80;
	s24 =	sshrl.u32 @!p0 s23, $0x2;
	[sflag:s18] =	ssyncset.done $0x0  }
0x24: {  	s23 =	simm.s32 $0x1;
	s24 =	sadd.s32 @!p0 $0xA000, s24;
	[sflag:s18] =	ssyncadd.s32 $0xFFFFE000  }
.LBB2_2:
0x25: {  	[tilespmem:s24], [sflag:$0x1] =	stream.indirect.gather @!p0 [hbm4b:s7+s25], $0x40, s22, s25, $0xb8;
	[tilespmem:$0x1C000] =	vst v63  }
0x26: {  	s24 =	smov.u32 s20;
	s20 =	sadd.s32 $0x8000, s20  }
0x27: {  	p1 =	sne.s32 s20, $0x518000  }
.Ltmp0:
0x28: {  	(pc) =	sbr.rel @p1 .LBB2_2-.Ltmp0, $4  }
0x29: {  	p0 =	sgt.u32 s23, $0x9C;
	s22 =	smov.u32 s21  }
0x2a: {  	s21 =	sadd.s32 $0x80, s21;
	s24 =	sand.u32 @!p0 $0x18000, s24;
	_ =	swait.ge [sflag:s18], $0x2000  }
0x2b: {  	s23 =	sadd.s32 $0x1, s23;
	s24 =	sshrl.u32 @!p0 s24, $0x2;
	[sflag:s18] =	ssyncset.done $0x0  }
0x2c: {  	s25 =	simm.s32 @!p0 $0x80;
	s24 =	sadd.s32 @!p0 $0xA000, s24;
	[sflag:s18] =	ssyncadd.s32 $0xFFFFE000  }
0x2d: {  	[tilespmem:s24], [sflag:$0x1] =	stream.indirect.gather @!p0 [hbm4b:s7+s25], $0x40, s22, s25, $0xb8;
	[tilespmem:$0x1C000] =	vst v63  }
0x2e: {  	s19 =	sadd.s32 $0x1, s19  }
0x2f: {  	p0 =	sne.s32 s19, s9  }
.Ltmp1:
0x30: {  	[bflag:$0x0] =	sbarrier.arrive $0xFFFF;
	(pc) =	sbr.rel @p0 .LBB2_1-.Ltmp1, $4  }
0x31: {  	[hbm:s8], [sflag:s4] =	dma.local [spmem:s10], $0x1400  }
0x32: {  	_ =	swait.ge [sflag:s11], $0x1400  }
0x33: {  	[sflag:s11] =	ssyncset.done $0x0  }
0x34: {  	[sflag:s11] =	ssyncadd.s32 $0xFFFFEC00  }
0x35: {  	_ =	sfence.sel $0x180000  }
0x36: {  	[bflag:$0x0] =	sbarrier.arrive $0xFFFF  }
0x37: {  	p0 =	sne.s32 s1, $0x0;
	_ =	strace $0x90000047  }
0x38: {  	s0 =	sadd.s32 @!p0 $0x100000, s0;
	[bflag:$0x2] =	sbarrier.arrive $0xFFFF  }
0x39: {  	[sflag:s0] =	ssyncadd.tile.s32 @!p0 $0x1;
	_ =	shalt  }
.Lfunc_end2:
_tile_overlayer_lowered:
.L_overlay_start_2:
0x3a: {  	(tag) =	ssettag $0x2  }
0x3b: {  	s0 =	rddreg [dreg:$0x0];
	s2 =	stileid.u32  }
0x3c: {  	s1 =	rddreg [dreg:$0x1];
	p0 =	sne.s32 s2, $0x0  }
0x3d: {  	s3 =	rddreg [dreg:$0x2];
	[bflag:$0x3] =	sbarrier.arrive $0xFFFF;
	s2 =	simm.s32 @!p0 $0x1C02  }
0x3e: {  	[timem:s3], [sflag:s2] =	dma.local @!p0 [hbm:s0], s1  }
0x3f: {  	s0 =	simm.s32 @!p0 $0x2  }
0x40: {  	_ =	swait.ge @!p0 [sflag:s0], s1  }
0x41: {  	s1 =	ssub.s32 @!p0 $0x0, s1;
	[sflag:s0] =	ssyncset.done @!p0 $0x0  }
0x42: {  	[sflag:s0] =	ssyncadd.s32 @!p0 s1  }
0x43: {  	[bflag:$0x3] =	sbarrier.arrive $0xFFFF  }
0x44: {  	_ =	shalt  }

</sc_bundles>
